<compile_context>
chip_gen: v7x
topology: tpu7x:2x2x1
jax: 0.10.2.dev20260603
libtpu: 0.0.44.dev20260713+nightly
codegen_flags: <defaults>
</compile_context>

<pallas_src>
import functools

import jax
import jax.numpy as jnp
from jax import lax
from jax.experimental import pallas as pl
from jax.experimental.pallas import tpu as pltpu
from jax.experimental.pallas import tpu_sc as plsc

N_NODES = 10000
D = 128
N_EDGES = 320000
NC, NS, L = 2, 16, 16
NW = NC * NS
CHUNK = 160
N_CHUNKS = 64
E_PER_TILE = N_CHUNKS * CHUNK
PAD_E = NW * E_PER_TILE
G = 8
NG = N_CHUNKS // G
PAD_NODES = 10112
ROWS_PER_TILE = PAD_NODES // NS

_BLK = 1000
_GRID = N_NODES // _BLK


def _h_body(f_ref, n_ref, o_ref):
    o_ref[...] = f_ref[...] * n_ref[...]


def _final_body(p_ref, n_ref, w_ref, b_ref, o_ref):
    agg = (p_ref[0] + p_ref[1]) * n_ref[...]
    o_ref[...] = lax.dot_general(
        agg, w_ref[...], (((1,), (1,)), ((), ())),
        preferred_element_type=jnp.float32) + b_ref[...]


def _sc_body(src_hbm, dst_hbm, h_hbm, out_hbm,
             sidx, didx, rows0, rows1, agg_sh, sem0, sem1, semi):
    cid = lax.axis_index("c")
    sid = lax.axis_index("s")
    wid = sid * NC + cid
    stripe = sid * ROWS_PER_TILE

    GE = G * CHUNK
    pltpu.async_copy(src_hbm.at[wid, pl.ds(0, GE)],
                     sidx.at[pl.ds(0, GE)], semi)
    pltpu.async_copy(dst_hbm.at[wid, pl.ds(0, GE)],
                     didx.at[pl.ds(0, GE)], semi)

    def zfill(r, carry):
        for c in range(D // L):
            rows0[r, pl.ds(c * L, L)] = jnp.zeros((L,), jnp.float32)
        return carry

    lax.fori_loop(0, CHUNK, zfill, 0)

    def zcopy(i, carry):
        pltpu.sync_copy(rows0, agg_sh.at[pl.ds(stripe + i * CHUNK, CHUNK)])
        return carry

    nz = ROWS_PER_TILE // CHUNK
    lax.fori_loop(0, nz, zcopy, 0)
    rem = ROWS_PER_TILE - nz * CHUNK
    pltpu.sync_copy(rows0.at[pl.ds(0, rem)],
                    agg_sh.at[pl.ds(stripe + nz * CHUNK, rem)])

    pltpu.make_async_copy(src_hbm.at[wid, pl.ds(0, GE)],
                          sidx.at[pl.ds(0, GE)], semi).wait()
    pltpu.make_async_copy(dst_hbm.at[wid, pl.ds(0, GE)],
                          didx.at[pl.ds(0, GE)], semi).wait()
    plsc.subcore_barrier()
    pltpu.async_copy(h_hbm.at[sidx.at[pl.ds(0, CHUNK)]], rows0, sem0)

    def group(g, carry):
        base = (g % 2) * GE
        nbase = GE - base
        gn = ((g + 1) % NG) * GE
        pltpu.async_copy(src_hbm.at[wid, pl.ds(gn, GE)],
                         sidx.at[pl.ds(nbase, GE)], semi)
        pltpu.async_copy(dst_hbm.at[wid, pl.ds(gn, GE)],
                         didx.at[pl.ds(nbase, GE)], semi)
        for k in range(G):
            cur, csem = (rows0, sem0) if k % 2 == 0 else (rows1, sem1)
            nxt, nsem = (rows1, sem1) if k % 2 == 0 else (rows0, sem0)
            pltpu.make_async_copy(
                h_hbm.at[sidx.at[pl.ds(base + k * CHUNK, CHUNK)]],
                cur, csem).wait()
            if k < G - 1:
                pltpu.async_copy(
                    h_hbm.at[sidx.at[pl.ds(base + (k + 1) * CHUNK, CHUNK)]],
                    nxt, nsem)
            else:
                pltpu.make_async_copy(src_hbm.at[wid, pl.ds(gn, GE)],
                                      sidx.at[pl.ds(nbase, GE)], semi).wait()
                pltpu.make_async_copy(dst_hbm.at[wid, pl.ds(gn, GE)],
                                      didx.at[pl.ds(nbase, GE)], semi).wait()
                pltpu.async_copy(h_hbm.at[sidx.at[pl.ds(nbase, CHUNK)]],
                                 nxt, nsem)
            pltpu.sync_copy(
                cur, agg_sh.at[didx.at[pl.ds(base + k * CHUNK, CHUNK)]],
                add=True)
        return carry

    lax.fori_loop(0, NG, group, 0)
    pltpu.make_async_copy(h_hbm.at[sidx.at[pl.ds(0, CHUNK)]],
                          rows0, sem0).wait()
    plsc.subcore_barrier()

    pltpu.sync_copy(agg_sh.at[pl.ds(stripe, ROWS_PER_TILE)],
                    out_hbm.at[cid, pl.ds(stripe, ROWS_PER_TILE)])


_sc_agg = functools.partial(
    pl.kernel,
    out_type=jax.ShapeDtypeStruct((NC, PAD_NODES, D), jnp.float32),
    mesh=plsc.VectorSubcoreMesh(
        core_axis_name="c", subcore_axis_name="s",
        num_cores=NC, num_subcores=NS),
    scratch_types=[
        pltpu.VMEM((2 * G * CHUNK,), jnp.int32),
        pltpu.VMEM((2 * G * CHUNK,), jnp.int32),
        pltpu.VMEM((CHUNK, D), jnp.float32),
        pltpu.VMEM((CHUNK, D), jnp.float32),
        pltpu.VMEM_SHARED((PAD_NODES, D), jnp.float32),
        pltpu.SemaphoreType.DMA,
        pltpu.SemaphoreType.DMA,
        pltpu.SemaphoreType.DMA,
    ],
)(_sc_body)


def kernel(feature, norm, edge_index, W, b):
    src = edge_index[0].astype(jnp.int32)
    dst = edge_index[1].astype(jnp.int32)
    npad = PAD_E - N_EDGES
    pad_ids = jnp.arange(npad, dtype=jnp.int32)
    src = jnp.concatenate(
        [src, pad_ids % N_NODES]).reshape(NW, N_CHUNKS * CHUNK)
    dst = jnp.concatenate(
        [dst, N_NODES + pad_ids % (PAD_NODES - N_NODES)]
    ).reshape(NW, N_CHUNKS * CHUNK)

    h = pl.pallas_call(
        _h_body,
        grid=(_GRID,),
        in_specs=[
            pl.BlockSpec((_BLK, D), lambda i: (i, 0)),
            pl.BlockSpec((_BLK, 1), lambda i: (i, 0)),
        ],
        out_specs=pl.BlockSpec((_BLK, D), lambda i: (i, 0)),
        out_shape=jax.ShapeDtypeStruct((N_NODES, D), jnp.float32),
    )(feature, norm)

    partials = _sc_agg(src, dst, h)

    out = pl.pallas_call(
        _final_body,
        grid=(_GRID,),
        in_specs=[
            pl.BlockSpec((NC, _BLK, D), lambda i: (0, i, 0)),
            pl.BlockSpec((_BLK, 1), lambda i: (i, 0)),
            pl.BlockSpec((D, D), lambda i: (0, 0)),
            pl.BlockSpec((1, D), lambda i: (0, 0)),
        ],
        out_specs=pl.BlockSpec((_BLK, D), lambda i: (i, 0)),
        out_shape=jax.ShapeDtypeStruct((N_NODES, D), jnp.float32),
    )(partials, norm, W, b.reshape(1, D))

    return out

# --- scband reference (transcript-rebuilt; emitter-appended) ---
"""Pipeline reference for scband-gcnlayer-75488345194724 (READ-ONLY COPY).

The authoritative reference and input builder live on the scoring server;
editing this copy changes nothing except your own understanding.
"""

import jax, jax.numpy as jnp
import numpy as np

N_NODES = 10000
N_EDGES = 320000
D_IN = 128
D_OUT = 128


def setup_inputs(seed: int = 0) -> dict:
    key = jax.random.key(seed)
    k1, k2, k3, k4, k5 = jax.random.split(key, 5)
    feature = jax.random.normal(k1, (N_NODES, D_IN), dtype=jnp.float32)
    norm = jax.random.uniform(k2, (N_NODES, 1), dtype=jnp.float32)
    edge_index = jax.random.randint(k3, (2, N_EDGES), 0, N_NODES, dtype=jnp.int64)
    # nn.Linear(in_feats, out_feats) parameters
    bound = 1.0 / np.sqrt(D_IN)
    W = jax.random.uniform(k4, (D_OUT, D_IN), dtype=jnp.float32, minval=-bound, maxval=bound)
    b = jax.random.uniform(k5, (D_OUT,), dtype=jnp.float32, minval=-bound, maxval=bound)
    return {"feature": feature, "norm": norm, "edge_index": edge_index, "W": W, "b": b}


def reference(feature, norm, edge_index, W, b):
    # h = feature * norm
    h = feature * norm
    # g.update_all(copy_u('h','m'), sum('m','h')):
    # each edge copies h[src] and destination nodes sum incoming messages
    src = edge_index[0]
    dst = edge_index[1]
    msgs = jnp.take(h, src, axis=0)               # gather on SparseCore
    agg = jnp.zeros_like(h).at[dst].add(msgs)     # scatter-add on SparseCore
    # h = h * norm (post-aggregation normalization)
    h = agg * norm
    # self.linear(h)
    return h @ W.T + b

if __name__ == "__main__":
    import jax
    _d = setup_inputs()
    print(jax.jit(kernel)(*tuple(_d.values())))

</pallas_src>

<mosaic_0001>
#map = affine_map<(d0, d1) -> (0, 0)>
#map1 = affine_map<(d0, d1) -> (0, 0, 0)>
module attributes {stable_mosaic.version = 14 : i64} {
  func.func @_sc_body(%arg0: i32, %arg1: i32, %arg2: memref<32x10240xi32, #tpu.memory_space<hbm>>, %arg3: memref<32x10240xi32, #tpu.memory_space<hbm>>, %arg4: memref<10000x128xf32, #tpu.memory_space<hbm>>, %arg5: memref<2x10112x128xf32, #tpu.memory_space<hbm>>, %arg6: memref<2560xi32, #tpu.memory_space<vmem>>, %arg7: memref<2560xi32, #tpu.memory_space<vmem>>, %arg8: memref<160x128xf32, #tpu.memory_space<vmem>>, %arg9: memref<160x128xf32, #tpu.memory_space<vmem>>, %arg10: memref<10112x128xf32, #tpu.memory_space<vmem_shared>>, %arg11: memref<!tpu.dma_semaphore, #tpu.memory_space<semaphore_mem>>, %arg12: memref<!tpu.dma_semaphore, #tpu.memory_space<semaphore_mem>>, %arg13: memref<!tpu.dma_semaphore, #tpu.memory_space<semaphore_mem>>) attributes {dimension_semantics = [#tpu.dimension_semantics<core_parallel>, #tpu.dimension_semantics<subcore_parallel>], iteration_bounds = array<i64: 2, 16>, scalar_prefetch = 0 : i64, scratch_operands = 8 : i64, tpu.core_type = #tpu.core_type<sc_vector_subcore>, window_params = [{transform_indices = #map}, {transform_indices = #map}, {transform_indices = #map}, {transform_indices = #map1}]} {
    %mul3A = arith.constant 2 : i32
    %mul3A_0 = arith.muli %arg1, %mul3A : i32
    %add3A = arith.addi %mul3A_0, %arg0 : i32
    %mul3A_1 = arith.constant 632 : i32
    %mul3A_2 = arith.muli %arg1, %mul3A_1 : i32
    %dma_start3A = arith.constant 0 : i32
    %dma_start3A_3 = tpu.memref_slice %arg6[%dma_start3A] : memref<2560xi32, #tpu.memory_space<vmem>> -> memref<1280xi32, #tpu.memory_space<vmem>>
    %dma_start3A_4 = arith.constant 0 : i32
    %dma_start3A_5 = tpu.memref_slice %arg2[%add3A, %dma_start3A_4] : memref<32x10240xi32, #tpu.memory_space<hbm>> -> memref<1x1280xi32, #tpu.memory_space<hbm>>
    %dma_start3A_6 = tpu.memref_squeeze %dma_start3A_5 : memref<1x1280xi32, #tpu.memory_space<hbm>> -> memref<1280xi32, #tpu.memory_space<hbm>>
    %dma_start3A_7 = arith.constant 0 : i32
    %dma_start3A_8 = tpu.memref_slice %arg6[%dma_start3A_7] : memref<2560xi32, #tpu.memory_space<vmem>> -> memref<1280xi32, #tpu.memory_space<vmem>>
    %dma_start3A_9 = arith.constant 0 : i32
    %dma_start3A_10 = tpu.memref_slice %arg2[%add3A, %dma_start3A_9] : memref<32x10240xi32, #tpu.memory_space<hbm>> -> memref<1x1280xi32, #tpu.memory_space<hbm>>
    %dma_start3A_11 = tpu.memref_squeeze %dma_start3A_10 : memref<1x1280xi32, #tpu.memory_space<hbm>> -> memref<1280xi32, #tpu.memory_space<hbm>>
    tpu.enqueue_dma source(%dma_start3A_11 : memref<1280xi32, #tpu.memory_space<hbm>>) target(%dma_start3A_8 : memref<1280xi32, #tpu.memory_space<vmem>>) target_semaphore(%arg13 : memref<!tpu.dma_semaphore, #tpu.memory_space<semaphore_mem>>)
    %dma_start3A_12 = arith.constant 0 : i32
    %dma_start3A_13 = tpu.memref_slice %arg7[%dma_start3A_12] : memref<2560xi32, #tpu.memory_space<vmem>> -> memref<1280xi32, #tpu.memory_space<vmem>>
    %dma_start3A_14 = arith.constant 0 : i32
    %dma_start3A_15 = tpu.memref_slice %arg3[%add3A, %dma_start3A_14] : memref<32x10240xi32, #tpu.memory_space<hbm>> -> memref<1x1280xi32, #tpu.memory_space<hbm>>
    %dma_start3A_16 = tpu.memref_squeeze %dma_start3A_15 : memref<1x1280xi32, #tpu.memory_space<hbm>> -> memref<1280xi32, #tpu.memory_space<hbm>>
    %dma_start3A_17 = arith.constant 0 : i32
    %dma_start3A_18 = tpu.memref_slice %arg7[%dma_start3A_17] : memref<2560xi32, #tpu.memory_space<vmem>> -> memref<1280xi32, #tpu.memory_space<vmem>>
    %dma_start3A_19 = arith.constant 0 : i32
    %dma_start3A_20 = tpu.memref_slice %arg3[%add3A, %dma_start3A_19] : memref<32x10240xi32, #tpu.memory_space<hbm>> -> memref<1x1280xi32, #tpu.memory_space<hbm>>
    %dma_start3A_21 = tpu.memref_squeeze %dma_start3A_20 : memref<1x1280xi32, #tpu.memory_space<hbm>> -> memref<1280xi32, #tpu.memory_space<hbm>>
    tpu.enqueue_dma source(%dma_start3A_21 : memref<1280xi32, #tpu.memory_space<hbm>>) target(%dma_start3A_18 : memref<1280xi32, #tpu.memory_space<vmem>>) target_semaphore(%arg13 : memref<!tpu.dma_semaphore, #tpu.memory_space<semaphore_mem>>)
    %scan3A = arith.constant 0 : i32
    %scan3A_22 = arith.constant 0 : i32
    %scan3A_23 = arith.constant 160 : i32
    %scan3A_24 = arith.addi %scan3A_22, %scan3A_23 : i32
    %scan3A_25 = arith.constant 1 : i32
    scf.for %scan3A_71 = %scan3A_22 to %scan3A_24 step %scan3A_25  : i32 {
      %broadcast_in_dim3A = arith.constant 0.000000e+00 : f32
      %broadcast_in_dim3A_72 = vector.broadcast %broadcast_in_dim3A : f32 to vector<16xf32>
      %swap3A = arith.index_cast %scan3A_71 : i32 to index
      %swap3A_73 = arith.constant 0 : index
      %swap3A_74 = tpu.vector_load %arg8[%swap3A, %swap3A_73] {strides = array<i32>} : memref<160x128xf32, #tpu.memory_space<vmem>>, vector<1x16xf32>,
      %swap3A_75 = vector.shape_cast %swap3A_74 : vector<1x16xf32> to vector<16xf32>
      %swap3A_76 = vector.shape_cast %broadcast_in_dim3A_72 : vector<16xf32> to vector<1x16xf32>
      tpu.vector_store %arg8[%swap3A, %swap3A_73], %swap3A_76 {strides = array<i32>} : memref<160x128xf32, #tpu.memory_space<vmem>>, vector<1x16xf32>,
      %broadcast_in_dim3A_77 = arith.constant 0.000000e+00 : f32
      %broadcast_in_dim3A_78 = vector.broadcast %broadcast_in_dim3A_77 : f32 to vector<16xf32>
      %swap3A_79 = arith.index_cast %scan3A_71 : i32 to index
      %swap3A_80 = arith.constant 16 : index
      %swap3A_81 = tpu.vector_load %arg8[%swap3A_79, %swap3A_80] {strides = array<i32>} : memref<160x128xf32, #tpu.memory_space<vmem>>, vector<1x16xf32>,
      %swap3A_82 = vector.shape_cast %swap3A_81 : vector<1x16xf32> to vector<16xf32>
      %swap3A_83 = vector.shape_cast %broadcast_in_dim3A_78 : vector<16xf32> to vector<1x16xf32>
      tpu.vector_store %arg8[%swap3A_79, %swap3A_80], %swap3A_83 {strides = array<i32>} : memref<160x128xf32, #tpu.memory_space<vmem>>, vector<1x16xf32>,
      %broadcast_in_dim3A_84 = arith.constant 0.000000e+00 : f32
      %broadcast_in_dim3A_85 = vector.broadcast %broadcast_in_dim3A_84 : f32 to vector<16xf32>
      %swap3A_86 = arith.index_cast %scan3A_71 : i32 to index
      %swap3A_87 = arith.constant 32 : index
      %swap3A_88 = tpu.vector_load %arg8[%swap3A_86, %swap3A_87] {strides = array<i32>} : memref<160x128xf32, #tpu.memory_space<vmem>>, vector<1x16xf32>,
      %swap3A_89 = vector.shape_cast %swap3A_88 : vector<1x16xf32> to vector<16xf32>
      %swap3A_90 = vector.shape_cast %broadcast_in_dim3A_85 : vector<16xf32> to vector<1x16xf32>
      tpu.vector_store %arg8[%swap3A_86, %swap3A_87], %swap3A_90 {strides = array<i32>} : memref<160x128xf32, #tpu.memory_space<vmem>>, vector<1x16xf32>,
      %broadcast_in_dim3A_91 = arith.constant 0.000000e+00 : f32
      %broadcast_in_dim3A_92 = vector.broadcast %broadcast_in_dim3A_91 : f32 to vector<16xf32>
      %swap3A_93 = arith.index_cast %scan3A_71 : i32 to index
      %swap3A_94 = arith.constant 48 : index
      %swap3A_95 = tpu.vector_load %arg8[%swap3A_93, %swap3A_94] {strides = array<i32>} : memref<160x128xf32, #tpu.memory_space<vmem>>, vector<1x16xf32>,
      %swap3A_96 = vector.shape_cast %swap3A_95 : vector<1x16xf32> to vector<16xf32>
      %swap3A_97 = vector.shape_cast %broadcast_in_dim3A_92 : vector<16xf32> to vector<1x16xf32>
      tpu.vector_store %arg8[%swap3A_93, %swap3A_94], %swap3A_97 {strides = array<i32>} : memref<160x128xf32, #tpu.memory_space<vmem>>, vector<1x16xf32>,
      %broadcast_in_dim3A_98 = arith.constant 0.000000e+00 : f32
      %broadcast_in_dim3A_99 = vector.broadcast %broadcast_in_dim3A_98 : f32 to vector<16xf32>
      %swap3A_100 = arith.index_cast %scan3A_71 : i32 to index
      %swap3A_101 = arith.constant 64 : index
      %swap3A_102 = tpu.vector_load %arg8[%swap3A_100, %swap3A_101] {strides = array<i32>} : memref<160x128xf32, #tpu.memory_space<vmem>>, vector<1x16xf32>,
      %swap3A_103 = vector.shape_cast %swap3A_102 : vector<1x16xf32> to vector<16xf32>
      %swap3A_104 = vector.shape_cast %broadcast_in_dim3A_99 : vector<16xf32> to vector<1x16xf32>
      tpu.vector_store %arg8[%swap3A_100, %swap3A_101], %swap3A_104 {strides = array<i32>} : memref<160x128xf32, #tpu.memory_space<vmem>>, vector<1x16xf32>,
      %broadcast_in_dim3A_105 = arith.constant 0.000000e+00 : f32
      %broadcast_in_dim3A_106 = vector.broadcast %broadcast_in_dim3A_105 : f32 to vector<16xf32>
      %swap3A_107 = arith.index_cast %scan3A_71 : i32 to index
      %swap3A_108 = arith.constant 80 : index
      %swap3A_109 = tpu.vector_load %arg8[%swap3A_107, %swap3A_108] {strides = array<i32>} : memref<160x128xf32, #tpu.memory_space<vmem>>, vector<1x16xf32>,
      %swap3A_110 = vector.shape_cast %swap3A_109 : vector<1x16xf32> to vector<16xf32>
      %swap3A_111 = vector.shape_cast %broadcast_in_dim3A_106 : vector<16xf32> to vector<1x16xf32>
      tpu.vector_store %arg8[%swap3A_107, %swap3A_108], %swap3A_111 {strides = array<i32>} : memref<160x128xf32, #tpu.memory_space<vmem>>, vector<1x16xf32>,
      %broadcast_in_dim3A_112 = arith.constant 0.000000e+00 : f32
      %broadcast_in_dim3A_113 = vector.broadcast %broadcast_in_dim3A_112 : f32 to vector<16xf32>
      %swap3A_114 = arith.index_cast %scan3A_71 : i32 to index
      %swap3A_115 = arith.constant 96 : index
      %swap3A_116 = tpu.vector_load %arg8[%swap3A_114, %swap3A_115] {strides = array<i32>} : memref<160x128xf32, #tpu.memory_space<vmem>>, vector<1x16xf32>,
      %swap3A_117 = vector.shape_cast %swap3A_116 : vector<1x16xf32> to vector<16xf32>
      %swap3A_118 = vector.shape_cast %broadcast_in_dim3A_113 : vector<16xf32> to vector<1x16xf32>
      tpu.vector_store %arg8[%swap3A_114, %swap3A_115], %swap3A_118 {strides = array<i32>} : memref<160x128xf32, #tpu.memory_space<vmem>>, vector<1x16xf32>,
      %broadcast_in_dim3A_119 = arith.constant 0.000000e+00 : f32
      %broadcast_in_dim3A_120 = vector.broadcast %broadcast_in_dim3A_119 : f32 to vector<16xf32>
      %swap3A_121 = arith.index_cast %scan3A_71 : i32 to index
      %swap3A_122 = arith.constant 112 : index
      %swap3A_123 = tpu.vector_load %arg8[%swap3A_121, %swap3A_122] {strides = array<i32>} : memref<160x128xf32, #tpu.memory_space<vmem>>, vector<1x16xf32>,
      %swap3A_124 = vector.shape_cast %swap3A_123 : vector<1x16xf32> to vector<16xf32>
      %swap3A_125 = vector.shape_cast %broadcast_in_dim3A_120 : vector<16xf32> to vector<1x16xf32>
      tpu.vector_store %arg8[%swap3A_121, %swap3A_122], %swap3A_125 {strides = array<i32>} : memref<160x128xf32, #tpu.memory_space<vmem>>, vector<1x16xf32>,
    }
    %scan3A_26 = arith.constant 160 : i32
    %scan3A_27 = arith.constant 0 : i32
    %scan3A_28 = arith.constant 0 : i32
    %scan3A_29 = arith.constant 3 : i32
    %scan3A_30 = arith.addi %scan3A_28, %scan3A_29 : i32
    %scan3A_31 = arith.constant 1 : i32
    scf.for %scan3A_71 = %scan3A_28 to %scan3A_30 step %scan3A_31  : i32 {
      %mul3A_72 = arith.constant 160 : i32
      %mul3A_73 = arith.muli %scan3A_71, %mul3A_72 : i32
      %add3A_74 = arith.addi %mul3A_2, %mul3A_73 : i32
      "tpu.region"() ({
        %run_scoped3A = tpu.sem_alloc : memref<!tpu.dma_semaphore, #tpu.memory_space<semaphore_mem>>
        %dma_start3A_75 = arith.constant 0 : i32
        %dma_start3A_76 = tpu.memref_slice %arg10[%add3A_74, %dma_start3A_75] : memref<10112x128xf32, #tpu.memory_space<vmem_shared>> -> memref<160x128xf32, #tpu.memory_space<vmem_shared>>
        %dma_start3A_77 = arith.constant 0 : i32
        %dma_start3A_78 = tpu.memref_slice %arg10[%add3A_74, %dma_start3A_77] : memref<10112x128xf32, #tpu.memory_space<vmem_shared>> -> memref<160x128xf32, #tpu.memory_space<vmem_shared>>
        tpu.enqueue_dma source(%arg8 : memref<160x128xf32, #tpu.memory_space<vmem>>) target(%dma_start3A_78 : memref<160x128xf32, #tpu.memory_space<vmem_shared>>) target_semaphore(%run_scoped3A : memref<!tpu.dma_semaphore, #tpu.memory_space<semaphore_mem>>)
        %dma_wait3A_79 = arith.constant 0 : i32
        %dma_wait3A_80 = tpu.memref_slice %arg10[%add3A_74, %dma_wait3A_79] : memref<10112x128xf32, #tpu.memory_space<vmem_shared>> -> memref<160x128xf32, #tpu.memory_space<vmem_shared>>
        %dma_wait3A_81 = arith.constant 0 : i32
        %dma_wait3A_82 = tpu.memref_slice %arg10[%add3A_74, %dma_wait3A_81] : memref<10112x128xf32, #tpu.memory_space<vmem_shared>> -> memref<160x128xf32, #tpu.memory_space<vmem_shared>>
        tpu.wait_dma2 semaphore(%run_scoped3A : memref<!tpu.dma_semaphore, #tpu.memory_space<semaphore_mem>>) src(%arg8 : memref<160x128xf32, #tpu.memory_space<vmem>>) dst(%dma_wait3A_82 : memref<160x128xf32, #tpu.memory_space<vmem_shared>>)
        tpu.yield
      }) : () -> ()
    }
    %scan3A_32 = arith.constant 3 : i32
    %add3A_33 = arith.constant 480 : i32
    %add3A_34 = arith.addi %mul3A_2, %add3A_33 : i32
    "tpu.region"() ({
      %run_scoped3A = tpu.sem_alloc : memref<!tpu.dma_semaphore, #tpu.memory_space<semaphore_mem>>
      %dma_start3A_71 = arith.constant 0 : i32
      %dma_start3A_72 = arith.constant 0 : i32
      %dma_start3A_73 = tpu.memref_slice %arg8[%dma_start3A_71, %dma_start3A_72] : memref<160x128xf32, #tpu.memory_space<vmem>> -> memref<152x128xf32, #tpu.memory_space<vmem>>
      %dma_start3A_74 = arith.constant 0 : i32
      %dma_start3A_75 = tpu.memref_slice %arg10[%add3A_34, %dma_start3A_74] : memref<10112x128xf32, #tpu.memory_space<vmem_shared>> -> memref<152x128xf32, #tpu.memory_space<vmem_shared>>
      %dma_start3A_76 = arith.constant 0 : i32
      %dma_start3A_77 = tpu.memref_slice %arg10[%add3A_34, %dma_start3A_76] : memref<10112x128xf32, #tpu.memory_space<vmem_shared>> -> memref<152x128xf32, #tpu.memory_space<vmem_shared>>
      %dma_start3A_78 = arith.constant 0 : i32
      %dma_start3A_79 = arith.constant 0 : i32
      %dma_start3A_80 = tpu.memref_slice %arg8[%dma_start3A_78, %dma_start3A_79] : memref<160x128xf32, #tpu.memory_space<vmem>> -> memref<152x128xf32, #tpu.memory_space<vmem>>
      tpu.enqueue_dma source(%dma_start3A_80 : memref<152x128xf32, #tpu.memory_space<vmem>>) target(%dma_start3A_77 : memref<152x128xf32, #tpu.memory_space<vmem_shared>>) target_semaphore(%run_scoped3A : memref<!tpu.dma_semaphore, #tpu.memory_space<semaphore_mem>>)
      %dma_wait3A_81 = arith.constant 0 : i32
      %dma_wait3A_82 = arith.constant 0 : i32
      %dma_wait3A_83 = tpu.memref_slice %arg8[%dma_wait3A_81, %dma_wait3A_82] : memref<160x128xf32, #tpu.memory_space<vmem>> -> memref<152x128xf32, #tpu.memory_space<vmem>>
      %dma_wait3A_84 = arith.constant 0 : i32
      %dma_wait3A_85 = tpu.memref_slice %arg10[%add3A_34, %dma_wait3A_84] : memref<10112x128xf32, #tpu.memory_space<vmem_shared>> -> memref<152x128xf32, #tpu.memory_space<vmem_shared>>
      %dma_wait3A_86 = arith.constant 0 : i32
      %dma_wait3A_87 = tpu.memref_slice %arg10[%add3A_34, %dma_wait3A_86] : memref<10112x128xf32, #tpu.memory_space<vmem_shared>> -> memref<152x128xf32, #tpu.memory_space<vmem_shared>>
      %dma_wait3A_88 = arith.constant 0 : i32
      %dma_wait3A_89 = arith.constant 0 : i32
      %dma_wait3A_90 = tpu.memref_slice %arg8[%dma_wait3A_88, %dma_wait3A_89] : memref<160x128xf32, #tpu.memory_space<vmem>> -> memref<152x128xf32, #tpu.memory_space<vmem>>
      tpu.wait_dma2 semaphore(%run_scoped3A : memref<!tpu.dma_semaphore, #tpu.memory_space<semaphore_mem>>) src(%dma_wait3A_90 : memref<152x128xf32, #tpu.memory_space<vmem>>) dst(%dma_wait3A_87 : memref<152x128xf32, #tpu.memory_space<vmem_shared>>)
      tpu.yield
    }) : () -> ()
    %dma_wait3A = arith.constant 0 : i32
    %dma_wait3A_35 = tpu.memref_slice %arg6[%dma_wait3A] : memref<2560xi32, #tpu.memory_space<vmem>> -> memref<1280xi32, #tpu.memory_space<vmem>>
    %dma_wait3A_36 = arith.constant 0 : i32
    %dma_wait3A_37 = tpu.memref_slice %arg2[%add3A, %dma_wait3A_36] : memref<32x10240xi32, #tpu.memory_space<hbm>> -> memref<1x1280xi32, #tpu.memory_space<hbm>>
    %dma_wait3A_38 = tpu.memref_squeeze %dma_wait3A_37 : memref<1x1280xi32, #tpu.memory_space<hbm>> -> memref<1280xi32, #tpu.memory_space<hbm>>
    %dma_wait3A_39 = arith.constant 0 : i32
    %dma_wait3A_40 = tpu.memref_slice %arg6[%dma_wait3A_39] : memref<2560xi32, #tpu.memory_space<vmem>> -> memref<1280xi32, #tpu.memory_space<vmem>>
    %dma_wait3A_41 = arith.constant 0 : i32
    %dma_wait3A_42 = tpu.memref_slice %arg2[%add3A, %dma_wait3A_41] : memref<32x10240xi32, #tpu.memory_space<hbm>> -> memref<1x1280xi32, #tpu.memory_space<hbm>>
    %dma_wait3A_43 = tpu.memref_squeeze %dma_wait3A_42 : memref<1x1280xi32, #tpu.memory_space<hbm>> -> memref<1280xi32, #tpu.memory_space<hbm>>
    tpu.wait_dma2 semaphore(%arg13 : memref<!tpu.dma_semaphore, #tpu.memory_space<semaphore_mem>>) src(%dma_wait3A_43 : memref<1280xi32, #tpu.memory_space<hbm>>) dst(%dma_wait3A_40 : memref<1280xi32, #tpu.memory_space<vmem>>)
    %dma_wait3A_44 = arith.constant 0 : i32
    %dma_wait3A_45 = tpu.memref_slice %arg7[%dma_wait3A_44] : memref<2560xi32, #tpu.memory_space<vmem>> -> memref<1280xi32, #tpu.memory_space<vmem>>
    %dma_wait3A_46 = arith.constant 0 : i32
    %dma_wait3A_47 = tpu.memref_slice %arg3[%add3A, %dma_wait3A_46] : memref<32x10240xi32, #tpu.memory_space<hbm>> -> memref<1x1280xi32, #tpu.memory_space<hbm>>
    %dma_wait3A_48 = tpu.memref_squeeze %dma_wait3A_47 : memref<1x1280xi32, #tpu.memory_space<hbm>> -> memref<1280xi32, #tpu.memory_space<hbm>>
    %dma_wait3A_49 = arith.constant 0 : i32
    %dma_wait3A_50 = tpu.memref_slice %arg7[%dma_wait3A_49] : memref<2560xi32, #tpu.memory_space<vmem>> -> memref<1280xi32, #tpu.memory_space<vmem>>
    %dma_wait3A_51 = arith.constant 0 : i32
    %dma_wait3A_52 = tpu.memref_slice %arg3[%add3A, %dma_wait3A_51] : memref<32x10240xi32, #tpu.memory_space<hbm>> -> memref<1x1280xi32, #tpu.memory_space<hbm>>
    %dma_wait3A_53 = tpu.memref_squeeze %dma_wait3A_52 : memref<1x1280xi32, #tpu.memory_space<hbm>> -> memref<1280xi32, #tpu.memory_space<hbm>>
    tpu.wait_dma2 semaphore(%arg13 : memref<!tpu.dma_semaphore, #tpu.memory_space<semaphore_mem>>) src(%dma_wait3A_53 : memref<1280xi32, #tpu.memory_space<hbm>>) dst(%dma_wait3A_50 : memref<1280xi32, #tpu.memory_space<vmem>>)
    %barrier3A = arith.constant 0 : index
    tpu.barrier barrier_id(%barrier3A)
    %dma_start3A_54 = arith.constant 0 : i32
    %dma_start3A_55 = tpu.memref_slice %arg6[%dma_start3A_54] : memref<2560xi32, #tpu.memory_space<vmem>> -> memref<160xi32, #tpu.memory_space<vmem>>
    %dma_start3A_56 = arith.constant 0 : i32
    %dma_start3A_57 = arith.constant 0 : i32
    %dma_start3A_58 = tpu.memref_slice %arg4[%dma_start3A_56, %dma_start3A_57] : memref<10000x128xf32, #tpu.memory_space<hbm>> -> memref<10000x128xf32, #tpu.memory_space<hbm>>
    tpu.enqueue_indirect_dma source(%dma_start3A_58 : memref<10000x128xf32, #tpu.memory_space<hbm>>) target(%arg8 : memref<160x128xf32, #tpu.memory_space<vmem>>) offsets(%dma_start3A_55 : memref<160xi32, #tpu.memory_space<vmem>>) semaphore(%arg11 : memref<!tpu.dma_semaphore, #tpu.memory_space<semaphore_mem>>)
    %scan3A_59 = arith.constant 0 : i32
    %scan3A_60 = arith.constant 0 : i32
    %scan3A_61 = arith.constant 8 : i32
    %scan3A_62 = arith.addi %scan3A_60, %scan3A_61 : i32
    %scan3A_63 = arith.constant 1 : i32
    scf.for %scan3A_71 = %scan3A_60 to %scan3A_62 step %scan3A_63  : i32 {
      %jit3A = arith.constant 2 : i32
      %eq3A = arith.constant 0 : i32
      %eq3A_72 = arith.cmpi eq, %jit3A, %eq3A : i32
      %jit3A_73 = arith.constant 1 : i32
      %select_n3A = arith.select %eq3A_72, %jit3A_73, %jit3A : i32
      %rem3A = arith.remsi %scan3A_71, %select_n3A : i32
      %ne3A = arith.constant 0 : i32
      %ne3A_74 = arith.cmpi ne, %rem3A, %ne3A : i32
      %lt3A = arith.constant 0 : i32
      %lt3A_75 = arith.cmpi slt, %rem3A, %lt3A : i32
      %lt3A_76 = arith.constant 0 : i32
      %lt3A_77 = arith.cmpi slt, %select_n3A, %lt3A_76 : i32
      %ne3A_78 = arith.xori %lt3A_75, %lt3A_77 : i1
      %and3A = arith.andi %ne3A_78, %ne3A_74 : i1
      %add3A_79 = arith.addi %rem3A, %select_n3A : i32
      %select_n3A_80 = arith.select %and3A, %add3A_79, %rem3A : i32
      %mul3A_81 = arith.constant 1280 : i32
      %mul3A_82 = arith.muli %select_n3A_80, %mul3A_81 : i32
      %sub3A = arith.constant 1280 : i32
      %sub3A_83 = arith.subi %sub3A, %mul3A_82 : i32
      %add3A_84 = arith.constant 1 : i32
      %add3A_85 = arith.addi %scan3A_71, %add3A_84 : i32
      %jit3A_86 = arith.constant 8 : i32
      %eq3A_87 = arith.constant 0 : i32
      %eq3A_88 = arith.cmpi eq, %jit3A_86, %eq3A_87 : i32
      %jit3A_89 = arith.constant 1 : i32
      %select_n3A_90 = arith.select %eq3A_88, %jit3A_89, %jit3A_86 : i32
      %rem3A_91 = arith.remsi %add3A_85, %select_n3A_90 : i32
      %ne3A_92 = arith.constant 0 : i32
      %ne3A_93 = arith.cmpi ne, %rem3A_91, %ne3A_92 : i32
      %lt3A_94 = arith.constant 0 : i32
      %lt3A_95 = arith.cmpi slt, %rem3A_91, %lt3A_94 : i32
      %lt3A_96 = arith.constant 0 : i32
      %lt3A_97 = arith.cmpi slt, %select_n3A_90, %lt3A_96 : i32
      %ne3A_98 = arith.xori %lt3A_95, %lt3A_97 : i1
      %and3A_99 = arith.andi %ne3A_98, %ne3A_93 : i1
      %add3A_100 = arith.addi %rem3A_91, %select_n3A_90 : i32
      %select_n3A_101 = arith.select %and3A_99, %add3A_100, %rem3A_91 : i32
      %mul3A_102 = arith.constant 1280 : i32
      %mul3A_103 = arith.muli %select_n3A_101, %mul3A_102 : i32
      %dma_start3A_104 = tpu.memref_slice %arg6[%sub3A_83] : memref<2560xi32, #tpu.memory_space<vmem>> -> memref<1280xi32, #tpu.memory_space<vmem>>
      %dma_start3A_105 = tpu.memref_slice %arg2[%add3A, %mul3A_103] : memref<32x10240xi32, #tpu.memory_space<hbm>> -> memref<1x1280xi32, #tpu.memory_space<hbm>>
      %dma_start3A_106 = tpu.memref_squeeze %dma_start3A_105 : memref<1x1280xi32, #tpu.memory_space<hbm>> -> memref<1280xi32, #tpu.memory_space<hbm>>
      %dma_start3A_107 = tpu.memref_slice %arg6[%sub3A_83] : memref<2560xi32, #tpu.memory_space<vmem>> -> memref<1280xi32, #tpu.memory_space<vmem>>
      %dma_start3A_108 = tpu.memref_slice %arg2[%add3A, %mul3A_103] : memref<32x10240xi32, #tpu.memory_space<hbm>> -> memref<1x1280xi32, #tpu.memory_space<hbm>>
      %dma_start3A_109 = tpu.memref_squeeze %dma_start3A_108 : memref<1x1280xi32, #tpu.memory_space<hbm>> -> memref<1280xi32, #tpu.memory_space<hbm>>
      tpu.enqueue_dma source(%dma_start3A_109 : memref<1280xi32, #tpu.memory_space<hbm>>) target(%dma_start3A_107 : memref<1280xi32, #tpu.memory_space<vmem>>) target_semaphore(%arg13 : memref<!tpu.dma_semaphore, #tpu.memory_space<semaphore_mem>>)
      %dma_start3A_110 = tpu.memref_slice %arg7[%sub3A_83] : memref<2560xi32, #tpu.memory_space<vmem>> -> memref<1280xi32, #tpu.memory_space<vmem>>
      %dma_start3A_111 = tpu.memref_slice %arg3[%add3A, %mul3A_103] : memref<32x10240xi32, #tpu.memory_space<hbm>> -> memref<1x1280xi32, #tpu.memory_space<hbm>>
      %dma_start3A_112 = tpu.memref_squeeze %dma_start3A_111 : memref<1x1280xi32, #tpu.memory_space<hbm>> -> memref<1280xi32, #tpu.memory_space<hbm>>
      %dma_start3A_113 = tpu.memref_slice %arg7[%sub3A_83] : memref<2560xi32, #tpu.memory_space<vmem>> -> memref<1280xi32, #tpu.memory_space<vmem>>
      %dma_start3A_114 = tpu.memref_slice %arg3[%add3A, %mul3A_103] : memref<32x10240xi32, #tpu.memory_space<hbm>> -> memref<1x1280xi32, #tpu.memory_space<hbm>>
      %dma_start3A_115 = tpu.memref_squeeze %dma_start3A_114 : memref<1x1280xi32, #tpu.memory_space<hbm>> -> memref<1280xi32, #tpu.memory_space<hbm>>
      tpu.enqueue_dma source(%dma_start3A_115 : memref<1280xi32, #tpu.memory_space<hbm>>) target(%dma_start3A_113 : memref<1280xi32, #tpu.memory_space<vmem>>) target_semaphore(%arg13 : memref<!tpu.dma_semaphore, #tpu.memory_space<semaphore_mem>>)
      %add3A_116 = arith.constant 0 : i32
      %add3A_117 = arith.addi %mul3A_82, %add3A_116 : i32
      %dma_wait3A_118 = tpu.memref_slice %arg6[%add3A_117] : memref<2560xi32, #tpu.memory_space<vmem>> -> memref<160xi32, #tpu.memory_space<vmem>>
      %dma_wait3A_119 = arith.constant 0 : i32
      %dma_wait3A_120 = arith.constant 0 : i32
      %dma_wait3A_121 = tpu.memref_slice %arg4[%dma_wait3A_119, %dma_wait3A_120] : memref<10000x128xf32, #tpu.memory_space<hbm>> -> memref<10000x128xf32, #tpu.memory_space<hbm>>
      tpu.wait_indirect_dma semaphore(%arg11 : memref<!tpu.dma_semaphore, #tpu.memory_space<semaphore_mem>>) src(%dma_wait3A_121 : memref<10000x128xf32, #tpu.memory_space<hbm>>) dst(%arg8 : memref<160x128xf32, #tpu.memory_space<vmem>>)
      %add3A_122 = arith.constant 160 : i32
      %add3A_123 = arith.addi %mul3A_82, %add3A_122 : i32
      %dma_start3A_124 = tpu.memref_slice %arg6[%add3A_123] : memref<2560xi32, #tpu.memory_space<vmem>> -> memref<160xi32, #tpu.memory_space<vmem>>
      %dma_start3A_125 = arith.constant 0 : i32
      %dma_start3A_126 = arith.constant 0 : i32
      %dma_start3A_127 = tpu.memref_slice %arg4[%dma_start3A_125, %dma_start3A_126] : memref<10000x128xf32, #tpu.memory_space<hbm>> -> memref<10000x128xf32, #tpu.memory_space<hbm>>
      tpu.enqueue_indirect_dma source(%dma_start3A_127 : memref<10000x128xf32, #tpu.memory_space<hbm>>) target(%arg9 : memref<160x128xf32, #tpu.memory_space<vmem>>) offsets(%dma_start3A_124 : memref<160xi32, #tpu.memory_space<vmem>>) semaphore(%arg12 : memref<!tpu.dma_semaphore, #tpu.memory_space<semaphore_mem>>)
      %add3A_128 = arith.constant 0 : i32
      %add3A_129 = arith.addi %mul3A_82, %add3A_128 : i32
      "tpu.region"() ({
        %run_scoped3A = tpu.sem_alloc : memref<!tpu.dma_semaphore, #tpu.memory_space<semaphore_mem>>
        %dma_start3A_238 = tpu.memref_slice %arg7[%add3A_129] : memref<2560xi32, #tpu.memory_space<vmem>> -> memref<160xi32, #tpu.memory_space<vmem>>
        %dma_start3A_239 = arith.constant 0 : i32
        %dma_start3A_240 = arith.constant 0 : i32
        %dma_start3A_241 = tpu.memref_slice %arg10[%dma_start3A_239, %dma_start3A_240] : memref<10112x128xf32, #tpu.memory_space<vmem_shared>> -> memref<10112x128xf32, #tpu.memory_space<vmem_shared>>
        tpu.enqueue_indirect_dma source(%arg8 : memref<160x128xf32, #tpu.memory_space<vmem>>) target(%dma_start3A_241 : memref<10112x128xf32, #tpu.memory_space<vmem_shared>>) offsets(%dma_start3A_238 : memref<160xi32, #tpu.memory_space<vmem>>) semaphore(%run_scoped3A : memref<!tpu.dma_semaphore, #tpu.memory_space<semaphore_mem>>) {add = true}
        %dma_wait3A_242 = tpu.memref_slice %arg7[%add3A_129] : memref<2560xi32, #tpu.memory_space<vmem>> -> memref<160xi32, #tpu.memory_space<vmem>>
        %dma_wait3A_243 = arith.constant 0 : i32
        %dma_wait3A_244 = arith.constant 0 : i32
        %dma_wait3A_245 = tpu.memref_slice %arg10[%dma_wait3A_243, %dma_wait3A_244] : memref<10112x128xf32, #tpu.memory_space<vmem_shared>> -> memref<10112x128xf32, #tpu.memory_space<vmem_shared>>
        tpu.wait_indirect_dma semaphore(%run_scoped3A : memref<!tpu.dma_semaphore, #tpu.memory_space<semaphore_mem>>) src(%arg8 : memref<160x128xf32, #tpu.memory_space<vmem>>) dst(%dma_wait3A_245 : memref<10112x128xf32, #tpu.memory_space<vmem_shared>>)
        tpu.yield
      }) : () -> ()
      %add3A_130 = arith.constant 160 : i32
      %add3A_131 = arith.addi %mul3A_82, %add3A_130 : i32
      %dma_wait3A_132 = tpu.memref_slice %arg6[%add3A_131] : memref<2560xi32, #tpu.memory_space<vmem>> -> memref<160xi32, #tpu.memory_space<vmem>>
      %dma_wait3A_133 = arith.constant 0 : i32
      %dma_wait3A_134 = arith.constant 0 : i32
      %dma_wait3A_135 = tpu.memref_slice %arg4[%dma_wait3A_133, %dma_wait3A_134] : memref<10000x128xf32, #tpu.memory_space<hbm>> -> memref<10000x128xf32, #tpu.memory_space<hbm>>
      tpu.wait_indirect_dma semaphore(%arg12 : memref<!tpu.dma_semaphore, #tpu.memory_space<semaphore_mem>>) src(%dma_wait3A_135 : memref<10000x128xf32, #tpu.memory_space<hbm>>) dst(%arg9 : memref<160x128xf32, #tpu.memory_space<vmem>>)
      %add3A_136 = arith.constant 320 : i32
      %add3A_137 = arith.addi %mul3A_82, %add3A_136 : i32
      %dma_start3A_138 = tpu.memref_slice %arg6[%add3A_137] : memref<2560xi32, #tpu.memory_space<vmem>> -> memref<160xi32, #tpu.memory_space<vmem>>
      %dma_start3A_139 = arith.constant 0 : i32
      %dma_start3A_140 = arith.constant 0 : i32
      %dma_start3A_141 = tpu.memref_slice %arg4[%dma_start3A_139, %dma_start3A_140] : memref<10000x128xf32, #tpu.memory_space<hbm>> -> memref<10000x128xf32, #tpu.memory_space<hbm>>
      tpu.enqueue_indirect_dma source(%dma_start3A_141 : memref<10000x128xf32, #tpu.memory_space<hbm>>) target(%arg8 : memref<160x128xf32, #tpu.memory_space<vmem>>) offsets(%dma_start3A_138 : memref<160xi32, #tpu.memory_space<vmem>>) semaphore(%arg11 : memref<!tpu.dma_semaphore, #tpu.memory_space<semaphore_mem>>)
      %add3A_142 = arith.constant 160 : i32
      %add3A_143 = arith.addi %mul3A_82, %add3A_142 : i32
      "tpu.region"() ({
        %run_scoped3A = tpu.sem_alloc : memref<!tpu.dma_semaphore, #tpu.memory_space<semaphore_mem>>
        %dma_start3A_238 = tpu.memref_slice %arg7[%add3A_143] : memref<2560xi32, #tpu.memory_space<vmem>> -> memref<160xi32, #tpu.memory_space<vmem>>
        %dma_start3A_239 = arith.constant 0 : i32
        %dma_start3A_240 = arith.constant 0 : i32
        %dma_start3A_241 = tpu.memref_slice %arg10[%dma_start3A_239, %dma_start3A_240] : memref<10112x128xf32, #tpu.memory_space<vmem_shared>> -> memref<10112x128xf32, #tpu.memory_space<vmem_shared>>
        tpu.enqueue_indirect_dma source(%arg9 : memref<160x128xf32, #tpu.memory_space<vmem>>) target(%dma_start3A_241 : memref<10112x128xf32, #tpu.memory_space<vmem_shared>>) offsets(%dma_start3A_238 : memref<160xi32, #tpu.memory_space<vmem>>) semaphore(%run_scoped3A : memref<!tpu.dma_semaphore, #tpu.memory_space<semaphore_mem>>) {add = true}
        %dma_wait3A_242 = tpu.memref_slice %arg7[%add3A_143] : memref<2560xi32, #tpu.memory_space<vmem>> -> memref<160xi32, #tpu.memory_space<vmem>>
        %dma_wait3A_243 = arith.constant 0 : i32
        %dma_wait3A_244 = arith.constant 0 : i32
        %dma_wait3A_245 = tpu.memref_slice %arg10[%dma_wait3A_243, %dma_wait3A_244] : memref<10112x128xf32, #tpu.memory_space<vmem_shared>> -> memref<10112x128xf32, #tpu.memory_space<vmem_shared>>
        tpu.wait_indirect_dma semaphore(%run_scoped3A : memref<!tpu.dma_semaphore, #tpu.memory_space<semaphore_mem>>) src(%arg9 : memref<160x128xf32, #tpu.memory_space<vmem>>) dst(%dma_wait3A_245 : memref<10112x128xf32, #tpu.memory_space<vmem_shared>>)
        tpu.yield
      }) : () -> ()
      %add3A_144 = arith.constant 320 : i32
      %add3A_145 = arith.addi %mul3A_82, %add3A_144 : i32
      %dma_wait3A_146 = tpu.memref_slice %arg6[%add3A_145] : memref<2560xi32, #tpu.memory_space<vmem>> -> memref<160xi32, #tpu.memory_space<vmem>>
      %dma_wait3A_147 = arith.constant 0 : i32
      %dma_wait3A_148 = arith.constant 0 : i32
      %dma_wait3A_149 = tpu.memref_slice %arg4[%dma_wait3A_147, %dma_wait3A_148] : memref<10000x128xf32, #tpu.memory_space<hbm>> -> memref<10000x128xf32, #tpu.memory_space<hbm>>
      tpu.wait_indirect_dma semaphore(%arg11 : memref<!tpu.dma_semaphore, #tpu.memory_space<semaphore_mem>>) src(%dma_wait3A_149 : memref<10000x128xf32, #tpu.memory_space<hbm>>) dst(%arg8 : memref<160x128xf32, #tpu.memory_space<vmem>>)
      %add3A_150 = arith.constant 480 : i32
      %add3A_151 = arith.addi %mul3A_82, %add3A_150 : i32
      %dma_start3A_152 = tpu.memref_slice %arg6[%add3A_151] : memref<2560xi32, #tpu.memory_space<vmem>> -> memref<160xi32, #tpu.memory_space<vmem>>
      %dma_start3A_153 = arith.constant 0 : i32
      %dma_start3A_154 = arith.constant 0 : i32
      %dma_start3A_155 = tpu.memref_slice %arg4[%dma_start3A_153, %dma_start3A_154] : memref<10000x128xf32, #tpu.memory_space<hbm>> -> memref<10000x128xf32, #tpu.memory_space<hbm>>
      tpu.enqueue_indirect_dma source(%dma_start3A_155 : memref<10000x128xf32, #tpu.memory_space<hbm>>) target(%arg9 : memref<160x128xf32, #tpu.memory_space<vmem>>) offsets(%dma_start3A_152 : memref<160xi32, #tpu.memory_space<vmem>>) semaphore(%arg12 : memref<!tpu.dma_semaphore, #tpu.memory_space<semaphore_mem>>)
      %add3A_156 = arith.constant 320 : i32
      %add3A_157 = arith.addi %mul3A_82, %add3A_156 : i32
      "tpu.region"() ({
        %run_scoped3A = tpu.sem_alloc : memref<!tpu.dma_semaphore, #tpu.memory_space<semaphore_mem>>
        %dma_start3A_238 = tpu.memref_slice %arg7[%add3A_157] : memref<2560xi32, #tpu.memory_space<vmem>> -> memref<160xi32, #tpu.memory_space<vmem>>
        %dma_start3A_239 = arith.constant 0 : i32
        %dma_start3A_240 = arith.constant 0 : i32
        %dma_start3A_241 = tpu.memref_slice %arg10[%dma_start3A_239, %dma_start3A_240] : memref<10112x128xf32, #tpu.memory_space<vmem_shared>> -> memref<10112x128xf32, #tpu.memory_space<vmem_shared>>
        tpu.enqueue_indirect_dma source(%arg8 : memref<160x128xf32, #tpu.memory_space<vmem>>) target(%dma_start3A_241 : memref<10112x128xf32, #tpu.memory_space<vmem_shared>>) offsets(%dma_start3A_238 : memref<160xi32, #tpu.memory_space<vmem>>) semaphore(%run_scoped3A : memref<!tpu.dma_semaphore, #tpu.memory_space<semaphore_mem>>) {add = true}
        %dma_wait3A_242 = tpu.memref_slice %arg7[%add3A_157] : memref<2560xi32, #tpu.memory_space<vmem>> -> memref<160xi32, #tpu.memory_space<vmem>>
        %dma_wait3A_243 = arith.constant 0 : i32
        %dma_wait3A_244 = arith.constant 0 : i32
        %dma_wait3A_245 = tpu.memref_slice %arg10[%dma_wait3A_243, %dma_wait3A_244] : memref<10112x128xf32, #tpu.memory_space<vmem_shared>> -> memref<10112x128xf32, #tpu.memory_space<vmem_shared>>
        tpu.wait_indirect_dma semaphore(%run_scoped3A : memref<!tpu.dma_semaphore, #tpu.memory_space<semaphore_mem>>) src(%arg8 : memref<160x128xf32, #tpu.memory_space<vmem>>) dst(%dma_wait3A_245 : memref<10112x128xf32, #tpu.memory_space<vmem_shared>>)
        tpu.yield
      }) : () -> ()
      %add3A_158 = arith.constant 480 : i32
      %add3A_159 = arith.addi %mul3A_82, %add3A_158 : i32
      %dma_wait3A_160 = tpu.memref_slice %arg6[%add3A_159] : memref<2560xi32, #tpu.memory_space<vmem>> -> memref<160xi32, #tpu.memory_space<vmem>>
      %dma_wait3A_161 = arith.constant 0 : i32
      %dma_wait3A_162 = arith.constant 0 : i32
      %dma_wait3A_163 = tpu.memref_slice %arg4[%dma_wait3A_161, %dma_wait3A_162] : memref<10000x128xf32, #tpu.memory_space<hbm>> -> memref<10000x128xf32, #tpu.memory_space<hbm>>
      tpu.wait_indirect_dma semaphore(%arg12 : memref<!tpu.dma_semaphore, #tpu.memory_space<semaphore_mem>>) src(%dma_wait3A_163 : memref<10000x128xf32, #tpu.memory_space<hbm>>) dst(%arg9 : memref<160x128xf32, #tpu.memory_space<vmem>>)
      %add3A_164 = arith.constant 640 : i32
      %add3A_165 = arith.addi %mul3A_82, %add3A_164 : i32
      %dma_start3A_166 = tpu.memref_slice %arg6[%add3A_165] : memref<2560xi32, #tpu.memory_space<vmem>> -> memref<160xi32, #tpu.memory_space<vmem>>
      %dma_start3A_167 = arith.constant 0 : i32
      %dma_start3A_168 = arith.constant 0 : i32
      %dma_start3A_169 = tpu.memref_slice %arg4[%dma_start3A_167, %dma_start3A_168] : memref<10000x128xf32, #tpu.memory_space<hbm>> -> memref<10000x128xf32, #tpu.memory_space<hbm>>
      tpu.enqueue_indirect_dma source(%dma_start3A_169 : memref<10000x128xf32, #tpu.memory_space<hbm>>) target(%arg8 : memref<160x128xf32, #tpu.memory_space<vmem>>) offsets(%dma_start3A_166 : memref<160xi32, #tpu.memory_space<vmem>>) semaphore(%arg11 : memref<!tpu.dma_semaphore, #tpu.memory_space<semaphore_mem>>)
      %add3A_170 = arith.constant 480 : i32
      %add3A_171 = arith.addi %mul3A_82, %add3A_170 : i32
      "tpu.region"() ({
        %run_scoped3A = tpu.sem_alloc : memref<!tpu.dma_semaphore, #tpu.memory_space<semaphore_mem>>
        %dma_start3A_238 = tpu.memref_slice %arg7[%add3A_171] : memref<2560xi32, #tpu.memory_space<vmem>> -> memref<160xi32, #tpu.memory_space<vmem>>
        %dma_start3A_239 = arith.constant 0 : i32
        %dma_start3A_240 = arith.constant 0 : i32
        %dma_start3A_241 = tpu.memref_slice %arg10[%dma_start3A_239, %dma_start3A_240] : memref<10112x128xf32, #tpu.memory_space<vmem_shared>> -> memref<10112x128xf32, #tpu.memory_space<vmem_shared>>
        tpu.enqueue_indirect_dma source(%arg9 : memref<160x128xf32, #tpu.memory_space<vmem>>) target(%dma_start3A_241 : memref<10112x128xf32, #tpu.memory_space<vmem_shared>>) offsets(%dma_start3A_238 : memref<160xi32, #tpu.memory_space<vmem>>) semaphore(%run_scoped3A : memref<!tpu.dma_semaphore, #tpu.memory_space<semaphore_mem>>) {add = true}
        %dma_wait3A_242 = tpu.memref_slice %arg7[%add3A_171] : memref<2560xi32, #tpu.memory_space<vmem>> -> memref<160xi32, #tpu.memory_space<vmem>>
        %dma_wait3A_243 = arith.constant 0 : i32
        %dma_wait3A_244 = arith.constant 0 : i32
        %dma_wait3A_245 = tpu.memref_slice %arg10[%dma_wait3A_243, %dma_wait3A_244] : memref<10112x128xf32, #tpu.memory_space<vmem_shared>> -> memref<10112x128xf32, #tpu.memory_space<vmem_shared>>
        tpu.wait_indirect_dma semaphore(%run_scoped3A : memref<!tpu.dma_semaphore, #tpu.memory_space<semaphore_mem>>) src(%arg9 : memref<160x128xf32, #tpu.memory_space<vmem>>) dst(%dma_wait3A_245 : memref<10112x128xf32, #tpu.memory_space<vmem_shared>>)
        tpu.yield
      }) : () -> ()
      %add3A_172 = arith.constant 640 : i32
      %add3A_173 = arith.addi %mul3A_82, %add3A_172 : i32
      %dma_wait3A_174 = tpu.memref_slice %arg6[%add3A_173] : memref<2560xi32, #tpu.memory_space<vmem>> -> memref<160xi32, #tpu.memory_space<vmem>>
      %dma_wait3A_175 = arith.constant 0 : i32
      %dma_wait3A_176 = arith.constant 0 : i32
      %dma_wait3A_177 = tpu.memref_slice %arg4[%dma_wait3A_175, %dma_wait3A_176] : memref<10000x128xf32, #tpu.memory_space<hbm>> -> memref<10000x128xf32, #tpu.memory_space<hbm>>
      tpu.wait_indirect_dma semaphore(%arg11 : memref<!tpu.dma_semaphore, #tpu.memory_space<semaphore_mem>>) src(%dma_wait3A_177 : memref<10000x128xf32, #tpu.memory_space<hbm>>) dst(%arg8 : memref<160x128xf32, #tpu.memory_space<vmem>>)
      %add3A_178 = arith.constant 800 : i32
      %add3A_179 = arith.addi %mul3A_82, %add3A_178 : i32
      %dma_start3A_180 = tpu.memref_slice %arg6[%add3A_179] : memref<2560xi32, #tpu.memory_space<vmem>> -> memref<160xi32, #tpu.memory_space<vmem>>
      %dma_start3A_181 = arith.constant 0 : i32
      %dma_start3A_182 = arith.constant 0 : i32
      %dma_start3A_183 = tpu.memref_slice %arg4[%dma_start3A_181, %dma_start3A_182] : memref<10000x128xf32, #tpu.memory_space<hbm>> -> memref<10000x128xf32, #tpu.memory_space<hbm>>
      tpu.enqueue_indirect_dma source(%dma_start3A_183 : memref<10000x128xf32, #tpu.memory_space<hbm>>) target(%arg9 : memref<160x128xf32, #tpu.memory_space<vmem>>) offsets(%dma_start3A_180 : memref<160xi32, #tpu.memory_space<vmem>>) semaphore(%arg12 : memref<!tpu.dma_semaphore, #tpu.memory_space<semaphore_mem>>)
      %add3A_184 = arith.constant 640 : i32
      %add3A_185 = arith.addi %mul3A_82, %add3A_184 : i32
      "tpu.region"() ({
        %run_scoped3A = tpu.sem_alloc : memref<!tpu.dma_semaphore, #tpu.memory_space<semaphore_mem>>
        %dma_start3A_238 = tpu.memref_slice %arg7[%add3A_185] : memref<2560xi32, #tpu.memory_space<vmem>> -> memref<160xi32, #tpu.memory_space<vmem>>
        %dma_start3A_239 = arith.constant 0 : i32
        %dma_start3A_240 = arith.constant 0 : i32
        %dma_start3A_241 = tpu.memref_slice %arg10[%dma_start3A_239, %dma_start3A_240] : memref<10112x128xf32, #tpu.memory_space<vmem_shared>> -> memref<10112x128xf32, #tpu.memory_space<vmem_shared>>
        tpu.enqueue_indirect_dma source(%arg8 : memref<160x128xf32, #tpu.memory_space<vmem>>) target(%dma_start3A_241 : memref<10112x128xf32, #tpu.memory_space<vmem_shared>>) offsets(%dma_start3A_238 : memref<160xi32, #tpu.memory_space<vmem>>) semaphore(%run_scoped3A : memref<!tpu.dma_semaphore, #tpu.memory_space<semaphore_mem>>) {add = true}
        %dma_wait3A_242 = tpu.memref_slice %arg7[%add3A_185] : memref<2560xi32, #tpu.memory_space<vmem>> -> memref<160xi32, #tpu.memory_space<vmem>>
        %dma_wait3A_243 = arith.constant 0 : i32
        %dma_wait3A_244 = arith.constant 0 : i32
        %dma_wait3A_245 = tpu.memref_slice %arg10[%dma_wait3A_243, %dma_wait3A_244] : memref<10112x128xf32, #tpu.memory_space<vmem_shared>> -> memref<10112x128xf32, #tpu.memory_space<vmem_shared>>
        tpu.wait_indirect_dma semaphore(%run_scoped3A : memref<!tpu.dma_semaphore, #tpu.memory_space<semaphore_mem>>) src(%arg8 : memref<160x128xf32, #tpu.memory_space<vmem>>) dst(%dma_wait3A_245 : memref<10112x128xf32, #tpu.memory_space<vmem_shared>>)
        tpu.yield
      }) : () -> ()
      %add3A_186 = arith.constant 800 : i32
      %add3A_187 = arith.addi %mul3A_82, %add3A_186 : i32
      %dma_wait3A_188 = tpu.memref_slice %arg6[%add3A_187] : memref<2560xi32, #tpu.memory_space<vmem>> -> memref<160xi32, #tpu.memory_space<vmem>>
      %dma_wait3A_189 = arith.constant 0 : i32
      %dma_wait3A_190 = arith.constant 0 : i32
      %dma_wait3A_191 = tpu.memref_slice %arg4[%dma_wait3A_189, %dma_wait3A_190] : memref<10000x128xf32, #tpu.memory_space<hbm>> -> memref<10000x128xf32, #tpu.memory_space<hbm>>
      tpu.wait_indirect_dma semaphore(%arg12 : memref<!tpu.dma_semaphore, #tpu.memory_space<semaphore_mem>>) src(%dma_wait3A_191 : memref<10000x128xf32, #tpu.memory_space<hbm>>) dst(%arg9 : memref<160x128xf32, #tpu.memory_space<vmem>>)
      %add3A_192 = arith.constant 960 : i32
      %add3A_193 = arith.addi %mul3A_82, %add3A_192 : i32
      %dma_start3A_194 = tpu.memref_slice %arg6[%add3A_193] : memref<2560xi32, #tpu.memory_space<vmem>> -> memref<160xi32, #tpu.memory_space<vmem>>
      %dma_start3A_195 = arith.constant 0 : i32
      %dma_start3A_196 = arith.constant 0 : i32
      %dma_start3A_197 = tpu.memref_slice %arg4[%dma_start3A_195, %dma_start3A_196] : memref<10000x128xf32, #tpu.memory_space<hbm>> -> memref<10000x128xf32, #tpu.memory_space<hbm>>
      tpu.enqueue_indirect_dma source(%dma_start3A_197 : memref<10000x128xf32, #tpu.memory_space<hbm>>) target(%arg8 : memref<160x128xf32, #tpu.memory_space<vmem>>) offsets(%dma_start3A_194 : memref<160xi32, #tpu.memory_space<vmem>>) semaphore(%arg11 : memref<!tpu.dma_semaphore, #tpu.memory_space<semaphore_mem>>)
      %add3A_198 = arith.constant 800 : i32
      %add3A_199 = arith.addi %mul3A_82, %add3A_198 : i32
      "tpu.region"() ({
        %run_scoped3A = tpu.sem_alloc : memref<!tpu.dma_semaphore, #tpu.memory_space<semaphore_mem>>
        %dma_start3A_238 = tpu.memref_slice %arg7[%add3A_199] : memref<2560xi32, #tpu.memory_space<vmem>> -> memref<160xi32, #tpu.memory_space<vmem>>
        %dma_start3A_239 = arith.constant 0 : i32
        %dma_start3A_240 = arith.constant 0 : i32
        %dma_start3A_241 = tpu.memref_slice %arg10[%dma_start3A_239, %dma_start3A_240] : memref<10112x128xf32, #tpu.memory_space<vmem_shared>> -> memref<10112x128xf32, #tpu.memory_space<vmem_shared>>
        tpu.enqueue_indirect_dma source(%arg9 : memref<160x128xf32, #tpu.memory_space<vmem>>) target(%dma_start3A_241 : memref<10112x128xf32, #tpu.memory_space<vmem_shared>>) offsets(%dma_start3A_238 : memref<160xi32, #tpu.memory_space<vmem>>) semaphore(%run_scoped3A : memref<!tpu.dma_semaphore, #tpu.memory_space<semaphore_mem>>) {add = true}
        %dma_wait3A_242 = tpu.memref_slice %arg7[%add3A_199] : memref<2560xi32, #tpu.memory_space<vmem>> -> memref<160xi32, #tpu.memory_space<vmem>>
        %dma_wait3A_243 = arith.constant 0 : i32
        %dma_wait3A_244 = arith.constant 0 : i32
        %dma_wait3A_245 = tpu.memref_slice %arg10[%dma_wait3A_243, %dma_wait3A_244] : memref<10112x128xf32, #tpu.memory_space<vmem_shared>> -> memref<10112x128xf32, #tpu.memory_space<vmem_shared>>
        tpu.wait_indirect_dma semaphore(%run_scoped3A : memref<!tpu.dma_semaphore, #tpu.memory_space<semaphore_mem>>) src(%arg9 : memref<160x128xf32, #tpu.memory_space<vmem>>) dst(%dma_wait3A_245 : memref<10112x128xf32, #tpu.memory_space<vmem_shared>>)
        tpu.yield
      }) : () -> ()
      %add3A_200 = arith.constant 960 : i32
      %add3A_201 = arith.addi %mul3A_82, %add3A_200 : i32
      %dma_wait3A_202 = tpu.memref_slice %arg6[%add3A_201] : memref<2560xi32, #tpu.memory_space<vmem>> -> memref<160xi32, #tpu.memory_space<vmem>>
      %dma_wait3A_203 = arith.constant 0 : i32
      %dma_wait3A_204 = arith.constant 0 : i32
      %dma_wait3A_205 = tpu.memref_slice %arg4[%dma_wait3A_203, %dma_wait3A_204] : memref<10000x128xf32, #tpu.memory_space<hbm>> -> memref<10000x128xf32, #tpu.memory_space<hbm>>
      tpu.wait_indirect_dma semaphore(%arg11 : memref<!tpu.dma_semaphore, #tpu.memory_space<semaphore_mem>>) src(%dma_wait3A_205 : memref<10000x128xf32, #tpu.memory_space<hbm>>) dst(%arg8 : memref<160x128xf32, #tpu.memory_space<vmem>>)
      %add3A_206 = arith.constant 1120 : i32
      %add3A_207 = arith.addi %mul3A_82, %add3A_206 : i32
      %dma_start3A_208 = tpu.memref_slice %arg6[%add3A_207] : memref<2560xi32, #tpu.memory_space<vmem>> -> memref<160xi32, #tpu.memory_space<vmem>>
      %dma_start3A_209 = arith.constant 0 : i32
      %dma_start3A_210 = arith.constant 0 : i32
      %dma_start3A_211 = tpu.memref_slice %arg4[%dma_start3A_209, %dma_start3A_210] : memref<10000x128xf32, #tpu.memory_space<hbm>> -> memref<10000x128xf32, #tpu.memory_space<hbm>>
      tpu.enqueue_indirect_dma source(%dma_start3A_211 : memref<10000x128xf32, #tpu.memory_space<hbm>>) target(%arg9 : memref<160x128xf32, #tpu.memory_space<vmem>>) offsets(%dma_start3A_208 : memref<160xi32, #tpu.memory_space<vmem>>) semaphore(%arg12 : memref<!tpu.dma_semaphore, #tpu.memory_space<semaphore_mem>>)
      %add3A_212 = arith.constant 960 : i32
      %add3A_213 = arith.addi %mul3A_82, %add3A_212 : i32
      "tpu.region"() ({
        %run_scoped3A = tpu.sem_alloc : memref<!tpu.dma_semaphore, #tpu.memory_space<semaphore_mem>>
        %dma_start3A_238 = tpu.memref_slice %arg7[%add3A_213] : memref<2560xi32, #tpu.memory_space<vmem>> -> memref<160xi32, #tpu.memory_space<vmem>>
        %dma_start3A_239 = arith.constant 0 : i32
        %dma_start3A_240 = arith.constant 0 : i32
        %dma_start3A_241 = tpu.memref_slice %arg10[%dma_start3A_239, %dma_start3A_240] : memref<10112x128xf32, #tpu.memory_space<vmem_shared>> -> memref<10112x128xf32, #tpu.memory_space<vmem_shared>>
        tpu.enqueue_indirect_dma source(%arg8 : memref<160x128xf32, #tpu.memory_space<vmem>>) target(%dma_start3A_241 : memref<10112x128xf32, #tpu.memory_space<vmem_shared>>) offsets(%dma_start3A_238 : memref<160xi32, #tpu.memory_space<vmem>>) semaphore(%run_scoped3A : memref<!tpu.dma_semaphore, #tpu.memory_space<semaphore_mem>>) {add = true}
        %dma_wait3A_242 = tpu.memref_slice %arg7[%add3A_213] : memref<2560xi32, #tpu.memory_space<vmem>> -> memref<160xi32, #tpu.memory_space<vmem>>
        %dma_wait3A_243 = arith.constant 0 : i32
        %dma_wait3A_244 = arith.constant 0 : i32
        %dma_wait3A_245 = tpu.memref_slice %arg10[%dma_wait3A_243, %dma_wait3A_244] : memref<10112x128xf32, #tpu.memory_space<vmem_shared>> -> memref<10112x128xf32, #tpu.memory_space<vmem_shared>>
        tpu.wait_indirect_dma semaphore(%run_scoped3A : memref<!tpu.dma_semaphore, #tpu.memory_space<semaphore_mem>>) src(%arg8 : memref<160x128xf32, #tpu.memory_space<vmem>>) dst(%dma_wait3A_245 : memref<10112x128xf32, #tpu.memory_space<vmem_shared>>)
        tpu.yield
      }) : () -> ()
      %add3A_214 = arith.constant 1120 : i32
      %add3A_215 = arith.addi %mul3A_82, %add3A_214 : i32
      %dma_wait3A_216 = tpu.memref_slice %arg6[%add3A_215] : memref<2560xi32, #tpu.memory_space<vmem>> -> memref<160xi32, #tpu.memory_space<vmem>>
      %dma_wait3A_217 = arith.constant 0 : i32
      %dma_wait3A_218 = arith.constant 0 : i32
      %dma_wait3A_219 = tpu.memref_slice %arg4[%dma_wait3A_217, %dma_wait3A_218] : memref<10000x128xf32, #tpu.memory_space<hbm>> -> memref<10000x128xf32, #tpu.memory_space<hbm>>
      tpu.wait_indirect_dma semaphore(%arg12 : memref<!tpu.dma_semaphore, #tpu.memory_space<semaphore_mem>>) src(%dma_wait3A_219 : memref<10000x128xf32, #tpu.memory_space<hbm>>) dst(%arg9 : memref<160x128xf32, #tpu.memory_space<vmem>>)
      %dma_wait3A_220 = tpu.memref_slice %arg6[%sub3A_83] : memref<2560xi32, #tpu.memory_space<vmem>> -> memref<1280xi32, #tpu.memory_space<vmem>>
      %dma_wait3A_221 = tpu.memref_slice %arg2[%add3A, %mul3A_103] : memref<32x10240xi32, #tpu.memory_space<hbm>> -> memref<1x1280xi32, #tpu.memory_space<hbm>>
      %dma_wait3A_222 = tpu.memref_squeeze %dma_wait3A_221 : memref<1x1280xi32, #tpu.memory_space<hbm>> -> memref<1280xi32, #tpu.memory_space<hbm>>
      %dma_wait3A_223 = tpu.memref_slice %arg6[%sub3A_83] : memref<2560xi32, #tpu.memory_space<vmem>> -> memref<1280xi32, #tpu.memory_space<vmem>>
      %dma_wait3A_224 = tpu.memref_slice %arg2[%add3A, %mul3A_103] : memref<32x10240xi32, #tpu.memory_space<hbm>> -> memref<1x1280xi32, #tpu.memory_space<hbm>>
      %dma_wait3A_225 = tpu.memref_squeeze %dma_wait3A_224 : memref<1x1280xi32, #tpu.memory_space<hbm>> -> memref<1280xi32, #tpu.memory_space<hbm>>
      tpu.wait_dma2 semaphore(%arg13 : memref<!tpu.dma_semaphore, #tpu.memory_space<semaphore_mem>>) src(%dma_wait3A_225 : memref<1280xi32, #tpu.memory_space<hbm>>) dst(%dma_wait3A_223 : memref<1280xi32, #tpu.memory_space<vmem>>)
      %dma_wait3A_226 = tpu.memref_slice %arg7[%sub3A_83] : memref<2560xi32, #tpu.memory_space<vmem>> -> memref<1280xi32, #tpu.memory_space<vmem>>
      %dma_wait3A_227 = tpu.memref_slice %arg3[%add3A, %mul3A_103] : memref<32x10240xi32, #tpu.memory_space<hbm>> -> memref<1x1280xi32, #tpu.memory_space<hbm>>
      %dma_wait3A_228 = tpu.memref_squeeze %dma_wait3A_227 : memref<1x1280xi32, #tpu.memory_space<hbm>> -> memref<1280xi32, #tpu.memory_space<hbm>>
      %dma_wait3A_229 = tpu.memref_slice %arg7[%sub3A_83] : memref<2560xi32, #tpu.memory_space<vmem>> -> memref<1280xi32, #tpu.memory_space<vmem>>
      %dma_wait3A_230 = tpu.memref_slice %arg3[%add3A, %mul3A_103] : memref<32x10240xi32, #tpu.memory_space<hbm>> -> memref<1x1280xi32, #tpu.memory_space<hbm>>
      %dma_wait3A_231 = tpu.memref_squeeze %dma_wait3A_230 : memref<1x1280xi32, #tpu.memory_space<hbm>> -> memref<1280xi32, #tpu.memory_space<hbm>>
      tpu.wait_dma2 semaphore(%arg13 : memref<!tpu.dma_semaphore, #tpu.memory_space<semaphore_mem>>) src(%dma_wait3A_231 : memref<1280xi32, #tpu.memory_space<hbm>>) dst(%dma_wait3A_229 : memref<1280xi32, #tpu.memory_space<vmem>>)
      %dma_start3A_232 = tpu.memref_slice %arg6[%sub3A_83] : memref<2560xi32, #tpu.memory_space<vmem>> -> memref<160xi32, #tpu.memory_space<vmem>>
      %dma_start3A_233 = arith.constant 0 : i32
      %dma_start3A_234 = arith.constant 0 : i32
      %dma_start3A_235 = tpu.memref_slice %arg4[%dma_start3A_233, %dma_start3A_234] : memref<10000x128xf32, #tpu.memory_space<hbm>> -> memref<10000x128xf32, #tpu.memory_space<hbm>>
      tpu.enqueue_indirect_dma source(%dma_start3A_235 : memref<10000x128xf32, #tpu.memory_space<hbm>>) target(%arg8 : memref<160x128xf32, #tpu.memory_space<vmem>>) offsets(%dma_start3A_232 : memref<160xi32, #tpu.memory_space<vmem>>) semaphore(%arg11 : memref<!tpu.dma_semaphore, #tpu.memory_space<semaphore_mem>>)
      %add3A_236 = arith.constant 1120 : i32
      %add3A_237 = arith.addi %mul3A_82, %add3A_236 : i32
      "tpu.region"() ({
        %run_scoped3A = tpu.sem_alloc : memref<!tpu.dma_semaphore, #tpu.memory_space<semaphore_mem>>
        %dma_start3A_238 = tpu.memref_slice %arg7[%add3A_237] : memref<2560xi32, #tpu.memory_space<vmem>> -> memref<160xi32, #tpu.memory_space<vmem>>
        %dma_start3A_239 = arith.constant 0 : i32
        %dma_start3A_240 = arith.constant 0 : i32
        %dma_start3A_241 = tpu.memref_slice %arg10[%dma_start3A_239, %dma_start3A_240] : memref<10112x128xf32, #tpu.memory_space<vmem_shared>> -> memref<10112x128xf32, #tpu.memory_space<vmem_shared>>
        tpu.enqueue_indirect_dma source(%arg9 : memref<160x128xf32, #tpu.memory_space<vmem>>) target(%dma_start3A_241 : memref<10112x128xf32, #tpu.memory_space<vmem_shared>>) offsets(%dma_start3A_238 : memref<160xi32, #tpu.memory_space<vmem>>) semaphore(%run_scoped3A : memref<!tpu.dma_semaphore, #tpu.memory_space<semaphore_mem>>) {add = true}
        %dma_wait3A_242 = tpu.memref_slice %arg7[%add3A_237] : memref<2560xi32, #tpu.memory_space<vmem>> -> memref<160xi32, #tpu.memory_space<vmem>>
        %dma_wait3A_243 = arith.constant 0 : i32
        %dma_wait3A_244 = arith.constant 0 : i32
        %dma_wait3A_245 = tpu.memref_slice %arg10[%dma_wait3A_243, %dma_wait3A_244] : memref<10112x128xf32, #tpu.memory_space<vmem_shared>> -> memref<10112x128xf32, #tpu.memory_space<vmem_shared>>
        tpu.wait_indirect_dma semaphore(%run_scoped3A : memref<!tpu.dma_semaphore, #tpu.memory_space<semaphore_mem>>) src(%arg9 : memref<160x128xf32, #tpu.memory_space<vmem>>) dst(%dma_wait3A_245 : memref<10112x128xf32, #tpu.memory_space<vmem_shared>>)
        tpu.yield
      }) : () -> ()
    }
    %scan3A_64 = arith.constant 8 : i32
    %dma_wait3A_65 = arith.constant 0 : i32
    %dma_wait3A_66 = tpu.memref_slice %arg6[%dma_wait3A_65] : memref<2560xi32, #tpu.memory_space<vmem>> -> memref<160xi32, #tpu.memory_space<vmem>>
    %dma_wait3A_67 = arith.constant 0 : i32
    %dma_wait3A_68 = arith.constant 0 : i32
    %dma_wait3A_69 = tpu.memref_slice %arg4[%dma_wait3A_67, %dma_wait3A_68] : memref<10000x128xf32, #tpu.memory_space<hbm>> -> memref<10000x128xf32, #tpu.memory_space<hbm>>
    tpu.wait_indirect_dma semaphore(%arg11 : memref<!tpu.dma_semaphore, #tpu.memory_space<semaphore_mem>>) src(%dma_wait3A_69 : memref<10000x128xf32, #tpu.memory_space<hbm>>) dst(%arg8 : memref<160x128xf32, #tpu.memory_space<vmem>>)
    %barrier3A_70 = arith.constant 0 : index
    tpu.barrier barrier_id(%barrier3A_70)
    "tpu.region"() ({
      %run_scoped3A = tpu.sem_alloc : memref<!tpu.dma_semaphore, #tpu.memory_space<semaphore_mem>>
      %dma_start3A_71 = arith.constant 0 : i32
      %dma_start3A_72 = tpu.memref_slice %arg5[%arg0, %mul3A_2, %dma_start3A_71] : memref<2x10112x128xf32, #tpu.memory_space<hbm>> -> memref<1x632x128xf32, #tpu.memory_space<hbm>>
      %dma_start3A_73 = tpu.memref_squeeze %dma_start3A_72 : memref<1x632x128xf32, #tpu.memory_space<hbm>> -> memref<632x128xf32, #tpu.memory_space<hbm>>
      %dma_start3A_74 = arith.constant 0 : i32
      %dma_start3A_75 = tpu.memref_slice %arg10[%mul3A_2, %dma_start3A_74] : memref<10112x128xf32, #tpu.memory_space<vmem_shared>> -> memref<632x128xf32, #tpu.memory_space<vmem_shared>>
      tpu.enqueue_dma source(%dma_start3A_75 : memref<632x128xf32, #tpu.memory_space<vmem_shared>>) target(%dma_start3A_73 : memref<632x128xf32, #tpu.memory_space<hbm>>) target_semaphore(%run_scoped3A : memref<!tpu.dma_semaphore, #tpu.memory_space<semaphore_mem>>)
      %dma_wait3A_76 = arith.constant 0 : i32
      %dma_wait3A_77 = tpu.memref_slice %arg5[%arg0, %mul3A_2, %dma_wait3A_76] : memref<2x10112x128xf32, #tpu.memory_space<hbm>> -> memref<1x632x128xf32, #tpu.memory_space<hbm>>
      %dma_wait3A_78 = tpu.memref_squeeze %dma_wait3A_77 : memref<1x632x128xf32, #tpu.memory_space<hbm>> -> memref<632x128xf32, #tpu.memory_space<hbm>>
      %dma_wait3A_79 = arith.constant 0 : i32
      %dma_wait3A_80 = tpu.memref_slice %arg10[%mul3A_2, %dma_wait3A_79] : memref<10112x128xf32, #tpu.memory_space<vmem_shared>> -> memref<632x128xf32, #tpu.memory_space<vmem_shared>>
      tpu.wait_dma2 semaphore(%run_scoped3A : memref<!tpu.dma_semaphore, #tpu.memory_space<semaphore_mem>>) src(%dma_wait3A_80 : memref<632x128xf32, #tpu.memory_space<vmem_shared>>) dst(%dma_wait3A_78 : memref<632x128xf32, #tpu.memory_space<hbm>>)
      tpu.yield
    }) : () -> ()
    return
  }
}

module attributes {stable_mosaic.version = 14 : i64} {
  func.func @_h_body(%arg0: i32, %arg1: memref<1000x128xf32, #tpu.memory_space<vmem>>, %arg2: memref<1000x1xf32, #tpu.memory_space<vmem>>, %arg3: memref<1000x128xf32, #tpu.memory_space<vmem>>) attributes {dimension_semantics = [#tpu.dimension_semantics<arbitrary>], iteration_bounds = array<i64: 10>, scalar_prefetch = 0 : i64, scratch_operands = 0 : i64, tpu.core_type = #tpu.core_type<tc>, window_params = [{transform_indices = @transform_0, window_bounds = array<i64: 1000, 128>}, {transform_indices = @transform_1, window_bounds = array<i64: 1000, 1>}, {transform_indices = @transform_2, window_bounds = array<i64: 1000, 128>}]} {
    %get3A = arith.constant 0 : index
    %get3A_0 = arith.constant 0 : index
    %get3A_1 = vector.load %arg1[%get3A, %get3A_0] : memref<1000x128xf32, #tpu.memory_space<vmem>>, vector<1000x128xf32>
    %get3A_2 = arith.constant 0 : index
    %get3A_3 = arith.constant 0 : index
    %get3A_4 = vector.load %arg2[%get3A_2, %get3A_3] : memref<1000x1xf32, #tpu.memory_space<vmem>>, vector<1000x1xf32>
    %mul3A = vector.broadcast %get3A_4 : vector<1000x1xf32> to vector<1000x128xf32>
    %mul3A_5 = arith.mulf %get3A_1, %mul3A : vector<1000x128xf32>
    %swap3A = arith.constant 0 : index
    %swap3A_6 = arith.constant 0 : index
    %swap3A_7 = vector.load %arg3[%swap3A, %swap3A_6] : memref<1000x128xf32, #tpu.memory_space<vmem>>, vector<1000x128xf32>
    tpu.vector_store %arg3[%swap3A, %swap3A_6], %mul3A_5 {strides = array<i32>} : memref<1000x128xf32, #tpu.memory_space<vmem>>, vector<1000x128xf32>,
    return
  }
  func.func @transform_0(%arg0: i32) -> (i32, i32) {
    %c0_i32 = arith.constant 0 : i32
    %c0_i32_0 = arith.constant 0 : i32
    return %arg0, %c0_i32 : i32, i32
  }
  func.func @transform_1(%arg0: i32) -> (i32, i32) {
    %c0_i32 = arith.constant 0 : i32
    %c0_i32_0 = arith.constant 0 : i32
    return %arg0, %c0_i32 : i32, i32
  }
  func.func @transform_2(%arg0: i32) -> (i32, i32) {
    %c0_i32 = arith.constant 0 : i32
    %c0_i32_0 = arith.constant 0 : i32
    return %arg0, %c0_i32 : i32, i32
  }
}

module attributes {stable_mosaic.version = 14 : i64} {
  func.func @_final_body(%arg0: i32, %arg1: memref<2x1000x128xf32, #tpu.memory_space<vmem>>, %arg2: memref<1000x1xf32, #tpu.memory_space<vmem>>, %arg3: memref<128x128xf32, #tpu.memory_space<vmem>>, %arg4: memref<1x128xf32, #tpu.memory_space<vmem>>, %arg5: memref<1000x128xf32, #tpu.memory_space<vmem>>) attributes {dimension_semantics = [#tpu.dimension_semantics<arbitrary>], iteration_bounds = array<i64: 10>, scalar_prefetch = 0 : i64, scratch_operands = 0 : i64, tpu.core_type = #tpu.core_type<tc>, window_params = [{transform_indices = @transform_0, window_bounds = array<i64: 2, 1000, 128>}, {transform_indices = @transform_1, window_bounds = array<i64: 1000, 1>}, {pipeline_mode = #tpu.pipeline_mode<synchronous>, transform_indices = @transform_2, window_bounds = array<i64: 128, 128>}, {pipeline_mode = #tpu.pipeline_mode<synchronous>, transform_indices = @transform_3, window_bounds = array<i64: 1, 128>}, {transform_indices = @transform_4, window_bounds = array<i64: 1000, 128>}]} {
    %get3A = arith.constant 0 : index
    %get3A_0 = arith.constant 0 : index
    %get3A_1 = arith.constant 0 : index
    %get3A_2 = vector.load %arg1[%get3A, %get3A_0, %get3A_1] : memref<2x1000x128xf32, #tpu.memory_space<vmem>>, vector<1x1000x128xf32>
    %get3A_3 = vector.shape_cast %get3A_2 : vector<1x1000x128xf32> to vector<1000x128xf32>
    %get3A_4 = arith.constant 1 : index
    %get3A_5 = arith.constant 0 : index
    %get3A_6 = arith.constant 0 : index
    %get3A_7 = vector.load %arg1[%get3A_4, %get3A_5, %get3A_6] : memref<2x1000x128xf32, #tpu.memory_space<vmem>>, vector<1x1000x128xf32>
    %get3A_8 = vector.shape_cast %get3A_7 : vector<1x1000x128xf32> to vector<1000x128xf32>
    %add3A = arith.addf %get3A_3, %get3A_8 : vector<1000x128xf32>
    %get3A_9 = arith.constant 0 : index
    %get3A_10 = arith.constant 0 : index
    %get3A_11 = vector.load %arg2[%get3A_9, %get3A_10] : memref<1000x1xf32, #tpu.memory_space<vmem>>, vector<1000x1xf32>
    %mul3A = vector.broadcast %get3A_11 : vector<1000x1xf32> to vector<1000x128xf32>
    %mul3A_12 = arith.mulf %add3A, %mul3A : vector<1000x128xf32>
    %get3A_13 = arith.constant 0 : index
    %get3A_14 = arith.constant 0 : index
    %get3A_15 = vector.load %arg3[%get3A_13, %get3A_14] : memref<128x128xf32, #tpu.memory_space<vmem>>, vector<128x128xf32>
    %dot_general3A = arith.constant dense<0.000000e+00> : vector<1000x128xf32>
    %dot_general3A_16 = tpu.matmul %mul3A_12, %get3A_15, %dot_general3A {dimension_numbers = #tpu.dot_dimension_numbers<[1], [1], [0], [0], [0, 0, 1, 0], [], []>, transpose_lhs_hint = false} : vector<1000x128xf32>, vector<128x128xf32>, vector<1000x128xf32> -> vector<1000x128xf32>
    %get3A_17 = arith.constant 0 : index
    %get3A_18 = arith.constant 0 : index
    %get3A_19 = vector.load %arg4[%get3A_17, %get3A_18] : memref<1x128xf32, #tpu.memory_space<vmem>>, vector<1x128xf32>
    %add3A_20 = vector.broadcast %get3A_19 : vector<1x128xf32> to vector<1000x128xf32>
    %add3A_21 = arith.addf %dot_general3A_16, %add3A_20 : vector<1000x128xf32>
    %swap3A = arith.constant 0 : index
    %swap3A_22 = arith.constant 0 : index
    %swap3A_23 = vector.load %arg5[%swap3A, %swap3A_22] : memref<1000x128xf32, #tpu.memory_space<vmem>>, vector<1000x128xf32>
    tpu.vector_store %arg5[%swap3A, %swap3A_22], %add3A_21 {strides = array<i32>} : memref<1000x128xf32, #tpu.memory_space<vmem>>, vector<1000x128xf32>,
    return
  }
  func.func @transform_0(%arg0: i32) -> (i32, i32, i32) {
    %c0_i32 = arith.constant 0 : i32
    %c0_i32_0 = arith.constant 0 : i32
    %c0_i32_1 = arith.constant 0 : i32
    return %c0_i32, %arg0, %c0_i32_0 : i32, i32, i32
  }
  func.func @transform_1(%arg0: i32) -> (i32, i32) {
    %c0_i32 = arith.constant 0 : i32
    %c0_i32_0 = arith.constant 0 : i32
    return %arg0, %c0_i32 : i32, i32
  }
  func.func @transform_2(%arg0: i32) -> (i32, i32) {
    %c0_i32 = arith.constant 0 : i32
    %c0_i32_0 = arith.constant 0 : i32
    %c0_i32_1 = arith.constant 0 : i32
    return %c0_i32, %c0_i32_0 : i32, i32
  }
  func.func @transform_3(%arg0: i32) -> (i32, i32) {
    %c0_i32 = arith.constant 0 : i32
    %c0_i32_0 = arith.constant 0 : i32
    %c0_i32_1 = arith.constant 0 : i32
    return %c0_i32, %c0_i32_0 : i32, i32
  }
  func.func @transform_4(%arg0: i32) -> (i32, i32) {
    %c0_i32 = arith.constant 0 : i32
    %c0_i32_0 = arith.constant 0 : i32
    return %arg0, %c0_i32 : i32, i32
  }
}

</mosaic_0001>

<sc_bundles>
// kernel: kernel.5.cloned.1.call-start
scs
__scs_entry_jumppad:
0x0: {  	(pc) =	sbr.rel $0x88, $3  }
0x1: {  	(tag) =	ssettag $0x0;
	lr =	simm.s32 $0x1  }
0x2: {  	[smem:$0x3F9C] =	sst lr;
	_ =	strace $0xD0000000  }
0x3: {  	_ = 	snop  }
0x4: {  	_ = 	snop  }
0x5: {  	_ = 	snop  }
0x6: {  	_ = 	snop  }
0x7: {  	_ = 	snop  }
__scs_overlays_trampoline_lowered:
0x8: {  	[smem:$0x3FAB] =	sst s0  }
0x9: {  	[smem:$0x3FAC] =	sst s1  }
0xa: {  	[smem:$0x3FAD] =	sst s2  }
0xb: {  	[smem:$0x3FAE] =	sst s3  }
0xc: {  	[smem:$0x3FAF] =	sst s4  }
0xd: {  	[smem:$0x3FB0] =	sst s5  }
0xe: {  	[smem:$0x3FB1] =	sst s6  }
0xf: {  	[smem:$0x3FB2] =	sst s7  }
0x10: {  	[smem:$0x3FB3] =	sst s8  }
0x11: {  	[smem:$0x3FB4] =	sst s9;
	s0 =	simm.s32 @!p0 $0x0  }
0x12: {  	s1 =	sld [smem:$0x3F9A];
	s0 =	simm.s32 @p0 $0x1  }
0x13: {  	[smem:$0x3FB5] =	sst s0;
	s0 =	simm.s32 @!p1 $0x0  }
0x14: {  	s2 =	sld [smem:$0x3F99];
	s0 =	simm.s32 @p1 $0x1  }
0x15: {  	[smem:$0x3FB6] =	sst s0;
	s0 =	simm.s32 @!p2 $0x0  }
0x16: {  	s3 =	sld [smem:$0x3FDB];
	s0 =	simm.s32 @p2 $0x1  }
0x17: {  	s4 =	simm.s32 $0x1BF5;
	[smem:$0x3FB8] =	sst s0  }
0x18: {  	s0 =	sld [smem:$0x3F9B];
	_ =	swait.ge [sflag:s4], $0x0  }
0x19: {  	s7 =	sld [smem:$0x3F9C]  }
0x1a: {  	s8 =	sadd.s32 $0xFFFFE003, lr  }
0x1b: {  	s9 =	sadd.s32 $0xFFFFFEF7, lr;
	s5 =	simm.s32 $0xFFFFFFFF;
	p2 =	slt.u32 s8, $0xFFFFF086  }
0x1c: {  	p1 =	slt.u32 s9, $0xF7A;
	s5 =	simm.s32 @!p2 $0x0  }
0x1d: {  	s5 =	simm.s32 @p1 $0x1;
	p0 =	seq.s32 s7, s2  }
0x1e: {  	s7 =	smul.u32 @!p0 $0xF7A, s2;
	p2 =	seq.s32 @!p0 s5, $0x0  }
0x1f: {  	s9 =	smul.u32 $0xF7A, s1;
	s8 =	simm.s32 @!p0 $0x1BF5;
	p2 =	por !p2, p0  }
0x20: {  	[sflag:s8] =	ssyncset.s32 @!p0 $0xFFFFF086;
	s6 =	sadd.s32 @!p0 s3, s7;
	s7 =	simm.s32 @!p0 $0x108  }
0x21: {  	s3 =	sadd.s32 s3, s9;
	s6 =	sadd.s32 @!p0 $0x88, s6;
	s7 =	simm.s32 @p2 $0x1082  }
0x22: {  	[simem:s7], [sflag:s8] =	dma.local @!p0 [hbm:s6], $0xF7A  }
0x23: {  	s9 =	sor.u32 $0xD0000000, s2;
	s6 =	simm.s32 $0x108;
	_ =	swait.ge @!p0 [sflag:s8], $0x0  }
0x24: {  	s3 =	sadd.s32 $0x88, s3;
	s6 =	simm.s32 @!p1 $0x1082;
	[sflag:s4] =	ssyncset.s32 $0xFFFFF086  }
0x25: {  	[simem:s6], [sflag:s4] =	dma.local [hbm:s3], $0xF7A  }
0x26: {  	[smem:$0x3F9C] =	sst s1;
	(tag) =	ssettag s2;
	_ =	strace s9  }
0x27: {  	s1 =	sld [smem:$0x3FAC]  }
0x28: {  	s2 =	sld [smem:$0x3FAD]  }
0x29: {  	s4 =	sld [smem:$0x3FAF]  }
0x2a: {  	p0 =	seq.s32 s5, $0x0;
	s5 =	sld [smem:$0x3FB0]  }
0x2b: {  	s6 =	sld [smem:$0x3FB1]  }
0x2c: {  	s7 =	sld [smem:$0x3FB2]  }
0x2d: {  	s3 =	simm.s32 $0x108;
	s8 =	sld [smem:$0x3FB3]  }
0x2e: {  	s3 =	simm.s32 @!p0 $0x1082;
	s9 =	sld [smem:$0x3FB4]  }
0x2f: {  	lr =	sadd.s32 s0, s3;
	s0 =	sld [smem:$0x3FAB]  }
0x30: {  	s3 =	sld [smem:$0x3FAE]  }
0x31: {  	[smem:$0x3FB7] =	sst s10  }
0x32: {  	s10 =	sld [smem:$0x3FB5];
	_ =	sdelay $0x3  }
0x33: {  	p0 =	seq.s32 s10, $0x1;
	s10 =	sld [smem:$0x3FB7];
	_ =	sdelay $0x3  }
0x34: {  	[smem:$0x3FB7] =	sst s10  }
0x35: {  	s10 =	sld [smem:$0x3FB6];
	_ =	sdelay $0x3  }
0x36: {  	p1 =	seq.s32 s10, $0x1;
	s10 =	sld [smem:$0x3FB7];
	_ =	sdelay $0x3  }
0x37: {  	[smem:$0x3FB7] =	sst s10  }
0x38: {  	s10 =	sld [smem:$0x3FB8]  }
0x39: {  	_ = 	snop;
	(pc) =	sbr.ind lr, $3  }
0x3a: {  	_ = 	snop  }
0x3b: {  	_ = 	snop  }
0x3c: {  	p2 =	seq.s32 s10, $0x1;
	s10 =	sld [smem:$0x3FB7]  }
0x3d: {  	_ =	shalt  }
0x3e: {  	_ =	shalt  }
0x3f: {  	_ =	shalt  }
0x40: {  	_ =	shalt  }
0x41: {  	_ =	shalt  }
0x42: {  	_ =	shalt  }
0x43: {  	_ =	shalt  }
0x44: {  	_ =	shalt  }
0x45: {  	_ =	shalt  }
0x46: {  	_ =	shalt  }
0x47: {  	_ =	shalt  }
0x48: {  	_ =	shalt  }
0x49: {  	_ =	shalt  }
0x4a: {  	_ =	shalt  }
0x4b: {  	_ =	shalt  }
0x4c: {  	_ =	shalt  }
0x4d: {  	_ =	shalt  }
0x4e: {  	_ =	shalt  }
0x4f: {  	_ =	shalt  }
0x50: {  	_ =	shalt  }
0x51: {  	_ =	shalt  }
0x52: {  	_ =	shalt  }
0x53: {  	_ =	shalt  }
0x54: {  	_ =	shalt  }
0x55: {  	_ =	shalt  }
0x56: {  	_ =	shalt  }
0x57: {  	_ =	shalt  }
0x58: {  	_ =	shalt  }
0x59: {  	_ =	shalt  }
0x5a: {  	_ =	shalt  }
0x5b: {  	_ =	shalt  }
0x5c: {  	_ =	shalt  }
0x5d: {  	_ =	shalt  }
0x5e: {  	_ =	shalt  }
0x5f: {  	_ =	shalt  }
0x60: {  	_ =	shalt  }
0x61: {  	_ =	shalt  }
0x62: {  	_ =	shalt  }
0x63: {  	_ =	shalt  }
0x64: {  	_ =	shalt  }
0x65: {  	_ =	shalt  }
0x66: {  	_ =	shalt  }
0x67: {  	_ =	shalt  }
0x68: {  	_ =	shalt  }
0x69: {  	_ =	shalt  }
0x6a: {  	_ =	shalt  }
0x6b: {  	_ =	shalt  }
0x6c: {  	_ =	shalt  }
0x6d: {  	_ =	shalt  }
0x6e: {  	_ =	shalt  }
0x6f: {  	_ =	shalt  }
0x70: {  	_ =	shalt  }
0x71: {  	_ =	shalt  }
0x72: {  	_ =	shalt  }
0x73: {  	_ =	shalt  }
0x74: {  	_ =	shalt  }
0x75: {  	_ =	shalt  }
0x76: {  	_ =	shalt  }
0x77: {  	_ =	shalt  }
0x78: {  	_ =	shalt  }
0x79: {  	_ =	shalt  }
0x7a: {  	_ =	shalt  }
0x7b: {  	_ =	shalt  }
0x7c: {  	_ =	shalt  }
0x7d: {  	_ =	shalt  }
0x7e: {  	_ =	shalt  }
0x7f: {  	_ =	shalt  }
0x80: {  	_ =	shalt  }
0x81: {  	_ =	shalt  }
0x82: {  	_ =	shalt  }
0x83: {  	_ =	shalt  }
0x84: {  	_ =	shalt  }
0x85: {  	_ =	shalt  }
0x86: {  	_ =	shalt  }
0x87: {  	_ =	shalt  }
.Lfunc_end0:
.L_simem_size_0:
called_computation_lowered:
.L_overlay_start_0:
0x88: {  	s2 =	sld [smem:$0x3FD9]  }
0x89: {  	s3 =	sld [smem:$0x3FFE];
	_ =	sdelay $0x1  }
0x8a: {  	s1 =	srdreg.scid  }
0x8b: {  	s0 =	sand.u32 $0x1, s1  }
0x8c: {  	s17 =	sshll.u32 s0, $0xA;
	s2 =	sadd.s32 s3, s2  }
0x8d: {  	s2 =	sadd.s32 s2, s17  }
0x8e: {  	[smem:$0x3FC3] =	sst s2  }
0x8f: {  	_ = 	snop  }
0x90: {  	s2 =	sld [smem:$0x3FD0];
	(tm) =	ssettm $0x1  }
0x91: {  	s18 =	sld [smem:$0x3FFB];
	_ =	sdelay $0x3  }
0x92: {  	_ =	strace s18  }
0x93: {  	s3 =	sld [smem:$0x3FFC];
	_ =	sdelay $0x3  }
0x94: {  	_ =	strace s3  }
0x95: {  	s3 =	sld [smem:$0x3FFD];
	_ =	sdelay $0x3  }
0x96: {  	_ =	strace s3  }
0x97: {  	_ =	strace $0x8FFFFFFF  }
0x98: {  	s19 =	sld [smem:$0x3FDB];
	_ =	sdelay $0x1  }
0x99: {  	s4 =	simm.s32 $_scs_section_size  }
0x9a: {  	s5 =	simm.s32 $_size__tile_overlayer_lowered;
	s6 =	simm.s32 $_tile_overlayer_lowered  }
0x9b: {  	s22 =	simm.s32 $0x1BFF;
	s21 =	sshll.u32 s6, $0x1;
	s3 =	sadd.s32 s4, s19  }
0x9c: {  	s7 =	simm.s32 $0x0;
	s20 =	sshll.u32 s5, $0x1;
	s5 =	sadd.s32 s21, s3  }
0x9d: {  	[timem:s7], [sflag:s22] =	dma.local [hbm:s5], s20  }
0x9e: {  	_ =	swait.ge [sflag:s22], s20  }
0x9f: {  	s4 =	ssub.s32 $0x0, s20;
	[sflag:s22] =	ssyncset.done $0x0  }
0xa0: {  	[sflag:s22] =	ssyncadd.s32 s4;
	_ =	sdelay $0x1  }
0xa1: {  	s23 =	simm.s32 $0x1B8B  }
0xa2: {  	_ =	swait.ge [sflag:s23], $0x1  }
0xa3: {  	[sflag:s23] =	ssyncset.done $0x0  }
0xa4: {  	s25 =	simm.s32 $0x1B8E;
	s24 =	sld [smem:$0x3FFE];
	[sflag:s23] =	ssyncadd.s32 $0xFFFFFFFF  }
0xa5: {  	s26 =	simm.s32 $execute0_lowered;
	[smem:$0x3FD2] =	sst s25  }
0xa6: {  	s5 =	sshll.u32 s26, $0x1;
	_ =	strace $0x80000046;
	[dreg:$0x1] =	wrdreg $0xFFFFFFFF  }
0xa7: {  	s28 =	simm.s32 $_size_execute0_lowered;
	s3 =	sadd.s32 s3, s5;
	[dreg:$0x0] =	wrdreg $0x0  }
0xa8: {  	s5 =	sshll.u32 s28, $0x1;
	[dreg:$0x2] =	wrdreg s3  }
0xa9: {  	[dreg:$0x3] =	wrdreg s5  }
0xaa: {  	[dreg:$0x4] =	wrdreg $0xC0  }
0xab: {  	_ =	task [dreg:s7], $0x5FFFF  }
0xac: {  	[dreg:$0x1] =	wrdreg $0xFFFFFFFF  }
0xad: {  	[dreg:$0x0] =	wrdreg $0x60  }
0xae: {  	[dreg:$0x2] =	wrdreg s24  }
0xaf: {  	[dreg:$0x3] =	wrdreg s2  }
0xb0: {  	[dreg:$0x4] =	wrdreg $0xB4000  }
0xb1: {  	[dreg:$0x5] =	wrdreg $0x9  }
0xb2: {  	_ =	task.clear_ibuf [dreg:s7], $0x6FFFF;
	_ =	strace $0x90000046  }
0xb3: {  	s29 =	simm.s32 $0x9;
	_ =	strace $0x80000048  }
0xb4: {  	_ =	swait.ge [sflag:s29], $0x1  }
0xb5: {  	[sflag:s29] =	ssyncadd.s32 $0xFFFFFFFF  }
0xb6: {  	_ =	strace $0x90000048  }
0xb7: {  	_ =	sfence  }
0xb8: {  	s30 =	sld [smem:$0x0];
	_ =	sdelay $0x2  }
0xb9: {  	s31 =	sshll.u32 s1, $0xD;
	s1 =	sshrl.u32 s1, $0x2  }
0xba: {  	s3 =	sand.u32 $0x4000, s31;
	s1 =	sadd.s32 s1, s30  }
0xbb: {  	s0 =	sor.u32 s3, s0;
	s1 =	sshll.u32 s1, $0x11  }
0xbc: {  	s0 =	sor.u32 s1, s0  }
0xbd: {  	s0 =	sadd.s32 $0x8F2B, s0  }
0xbe: {  	[sflag:s0] =	ssyncadd.remote.s32 $0x1  }
0xbf: {  	_ =	sfence.sel $0xFFFF  }
0xc0: {  	[dreg:$0x0] =	wrdreg $0xFFFFFFFF;
	(pc) =	sbr.abs _section_cstart, $3  }
0xc1: {  	[dreg:$0x1] =	wrdreg $0xFFFFFFFF  }
0xc2: {  	_ =	task.clear_ibuf [dreg:s7], $0x2FFFF;
	_ =	strace $0x9FFFFFFF  }
0xc3: {  	(tm) =	ssettm $0x7FFFFFFF  }
tec
execute0_lowered:
.L_overlay_start_1:
0x0: {  	(tag) =	ssettag $0x1  }
0x1: {  	s7 =	rddreg [dreg:$0x0]  }
0x2: {  	s1 =	rddreg [dreg:$0x1]  }
0x3: {  	s2 =	rddreg [dreg:$0x2];
	s3 =	srdreg.scid;
	s0 =	simm.s32 $0x0  }
0x4: {  	s16 =	simm.s32 $0x80;
	s17 =	simm.s32 $0x400;
	s18 =	simm.s32 $0xA00  }
0x5: {  	s19 =	simm.s32 $0x1400;
	s20 =	simm.s32 $0x4;
	s21 =	simm.s32 $0x3  }
0x6: {  	s23 =	simm.s32 $0x500;
	s22 =	simm.s32 $0xA0;
	s24 =	simm.s32 $0x6400  }
0x7: {  	s25 =	simm.s32 $0x2;
	s8 =	sand.u32 $0x1, s3;
	s3 =	stileid.u32  }
0x8: {  	[smem:$0x7FF] =	sst s0;
	s5 =	sadd.s32 $0x1000, s7;
	s9 =	smul.u32 $0x13C000, s8  }
0x9: {  	s6 =	sadd.s32 $0xB000, s7;
	s10 =	smul.u32 $0x13C00, s3;
	_ =	strace $0x80000047  }
0xa: {  	s26 =	sshrl.u32 s3, $0x2;
	s11 =	sshll.u32 s3, $0x8;
	s12 =	sshll.u32 s8, $0x7  }
0xb: {  	s8 =	ssub.s32 $0x2, s8;
	s28 =	smul.u32 $0x4F000, s3;
	[dreg:$0x4] =	wrdreg s23  }
0xc: {  	s23 =	simm.s32 $0x1;
	s11 =	sand.u32 $0x300, s11;
	s29 =	sshrl.u32 s8, $0x1  }
0xd: {  	s9 =	sadd.s32 s10, s9;
	s10 =	smul.u32 $0x14000, s26;
	s11 =	sor.u32 s12, s11  }
0xe: {  	s14 =	ssub.s32 s8, s29;
	s31 =	sshrl.u32 s28, $0x2;
	s9 =	sshrl.u32 s9, $0x3  }
0xf: {  	s13 =	sadd.s32 s9, s7;
	s7 =	sor.u32 s10, s11;
	s10 =	sadd.s32 s31, s2  }
0x10: {  	s26 =	simm.s32 $0x0;
	s30 =	sshrl.u32 s7, $0x3;
	s11 =	sadd.s32 $0xF000, s10  }
0x11: {  	s12 =	sadd.s32 $0x15000, s13;
	s13 =	smax.u32 s14, $0x1;
	s14 =	sadd.s32 $0x5000, s10  }
0x12: {  	v0 =	vimm.f32 $0.0e+00;
	s15 =	sadd.s32 $0xA000, s10;
	s8 =	sadd.s32 s5, s30;
	s9 =	sadd.s32 s6, s30  }
.LBB2_1:
0x13: {  	s0 =	simm.s32 $0x0  }
0x14: {  	[tilespmem:s0], [sflag:$0x3] =	stream.strided.gather [hbm4b:s8+s16], $0x500, s17, s16, $0x38;
	[tilespmem:$0x1F000] =	vst v63  }
0x15: {  	s28 =	simm.s32 $0x0;
	s29 =	simm.s32 $0x200  }
0x16: {  	[tilespmem:s18], [sflag:$0x3] =	stream.strided.gather [hbm4b:s9+s16], $0x500, s17, s16, $0x38;
	[tilespmem:$0x1F000] =	vst v63  }
.LBB2_2:
0x17: {  	p0 =	sne.s32 s29, $0x13E00;
	[tilespmem:s28+$0x1470] =	vst v0  }
0x18: {  	[tilespmem:s28+$0x1400] =	vst v0  }
0x19: {  	[tilespmem:s28+$0x1410] =	vst v0  }
.Ltmp0:
0x1a: {  	[tilespmem:s28+$0x1420] =	vst v0;
	(pc) =	sbr.rel @p0 .LBB2_2-.Ltmp0, $4  }
0x1b: {  	[tilespmem:s28+$0x1430] =	vst v0  }
0x1c: {  	[tilespmem:s28+$0x1440] =	vst v0  }
0x1d: {  	[tilespmem:s28+$0x1450] =	vst v0  }
0x1e: {  	[tilespmem:s28+$0x1460] =	vst v0;
	s28 =	sshra.s32 s29, $0x2;
	s29 =	sadd.s32 $0x200, s29  }
0x1f: {  	[tilespmem:s28+$0x1470] =	vst v0  }
0x20: {  	[tilespmem:s28+$0x1400] =	vst v0  }
0x21: {  	[tilespmem:s28+$0x1410] =	vst v0  }
0x22: {  	[tilespmem:s28+$0x1420] =	vst v0  }
0x23: {  	[tilespmem:s28+$0x1430] =	vst v0  }
0x24: {  	[tilespmem:s28+$0x1440] =	vst v0  }
0x25: {  	[tilespmem:s28+$0x1450] =	vst v0  }
0x26: {  	[tilespmem:s28+$0x1460] =	vst v0  }
0x27: {  	[spmem:s10] =	stream.linear.scatter [tilespmem:s19], [sflag:$0x4], $0x5000, $0x38;
	[tilespmem:$0x1F000] =	vst v63  }
0x28: {  	_ =	swait.ge [sflag:s20], $0x5000  }
0x29: {  	[sflag:s20] =	ssyncset.done $0x0  }
0x2a: {  	[sflag:s20] =	ssyncadd.s32 $0xFFFFB000  }
0x2b: {  	[spmem:s14] =	stream.linear.scatter [tilespmem:s19], [sflag:$0x4], $0x5000, $0x38;
	[tilespmem:$0x1F000] =	vst v63  }
0x2c: {  	_ =	swait.ge [sflag:s20], $0x5000  }
0x2d: {  	[sflag:s20] =	ssyncset.done $0x0  }
0x2e: {  	[sflag:s20] =	ssyncadd.s32 $0xFFFFB000  }
0x2f: {  	[spmem:s15] =	stream.linear.scatter [tilespmem:s19], [sflag:$0x4], $0x5000, $0x38;
	[tilespmem:$0x1F000] =	vst v63  }
0x30: {  	_ =	swait.ge [sflag:s20], $0x5000  }
0x31: {  	[sflag:s20] =	ssyncset.done $0x0  }
0x32: {  	[sflag:s20] =	ssyncadd.s32 $0xFFFFB000  }
0x33: {  	[spmem:s11] =	stream.linear.scatter [tilespmem:s19], [sflag:$0x4], $0x4C00, $0x38;
	[tilespmem:$0x1F000] =	vst v63  }
0x34: {  	_ =	swait.ge [sflag:s20], $0x4C00  }
0x35: {  	[sflag:s20] =	ssyncset.done $0x0  }
0x36: {  	[sflag:s20] =	ssyncadd.s32 $0xFFFFB400  }
0x37: {  	_ =	swait.ge [sflag:s21], $0x500  }
0x38: {  	[sflag:s21] =	ssyncset.done $0x0  }
0x39: {  	[sflag:s21] =	ssyncadd.s32 $0xFFFFFB00  }
0x3a: {  	_ =	swait.ge [sflag:s21], $0x500  }
0x3b: {  	s28 =	simm.s32 $0x1;
	[sflag:s21] =	ssyncset.done $0x0  }
0x3c: {  	s31 =	sand.u32 $0x7, s28;
	[sflag:s21] =	ssyncadd.s32 $0xFFFFFB00  }
0x3d: {  	s30 =	simm.s32 $0x0;
	s31 =	smul.u32 $0x2800, s31;
	[bflag:$0x0] =	sbarrier.arrive $0xFFFF  }
0x3e: {  	[tilespmem:s19], [sflag:$0x1] =	stream.indirect.gather [hbm4b:s1+s22], $0x80, s30, s22, $0xb8;
	[tilespmem:$0x1F000] =	vst v63  }
0x3f: {  	s30 =	sand.u32 $0x1, s30  }
0x40: {  	s0 =	sadd.s32 s7, s31;
	s29 =	rddreg [dreg:$0x4];
	p0 =	seq.s32 s30, $0x1  }
0x41: {  	s31 =	sshrl.u32 s0, $0x3;
	s29 =	simm.s32 @!p0 $0x0  }
0x42: {  	s0 =	sadd.s32 s5, s31;
	s30 =	sxor.u32 $0x500, s29  }
0x43: {  	[tilespmem:s30], [sflag:$0x3] =	stream.strided.gather [hbm4b:s0+s16], $0x500, s17, s16, $0x38;
	[tilespmem:$0x1F000] =	vst v63  }
0x44: {  	s31 =	sadd.s32 s6, s31;
	s4 =	sxor.u32 $0xF00, s29  }
0x45: {  	[tilespmem:s4], [sflag:$0x3] =	stream.strided.gather [hbm4b:s31+s16], $0x500, s17, s16, $0x38;
	[tilespmem:$0x1F000] =	vst v63  }
0x46: {  	_ =	swait.ge [sflag:s23], $0x5000  }
0x47: {  	[sflag:s23] =	ssyncset.done $0x0  }
0x48: {  	s4 =	sor.u32 $0xA0, s29;
	[sflag:s23] =	ssyncadd.s32 $0xFFFFB000  }
0x49: {  	[tilespmem:s24], [sflag:$0x2] =	stream.indirect.gather [hbm4b:s1+s22], $0x80, s4, s22, $0xb8;
	[tilespmem:$0x1F000] =	vst v63  }
0x4a: {  	s31 =	sor.u32 $0xA00, s29  }
0x4b: {  	[spmem:s2] =	stream.indirect.scatter.add.f32 [tilespmem:s19], [sflag:$0x4], $0x80, s31, s22, $0xb8;
	[tilespmem:$0x1F000] =	vst v63  }
0x4c: {  	_ =	swait.ge [sflag:s20], $0x5000  }
0x4d: {  	[sflag:s20] =	ssyncset.done $0x0  }
0x4e: {  	[sflag:s20] =	ssyncadd.s32 $0xFFFFB000  }
0x4f: {  	_ =	swait.ge [sflag:s25], $0x5000  }
0x50: {  	[sflag:s25] =	ssyncset.done $0x0  }
0x51: {  	s4 =	sadd.s32 $0x140, s29;
	[sflag:s25] =	ssyncadd.s32 $0xFFFFB000  }
0x52: {  	[tilespmem:s19], [sflag:$0x1] =	stream.indirect.gather [hbm4b:s1+s22], $0x80, s4, s22, $0xb8;
	[tilespmem:$0x1F000] =	vst v63  }
0x53: {  	s31 =	sor.u32 $0xAA0, s29  }
0x54: {  	[spmem:s2] =	stream.indirect.scatter.add.f32 [tilespmem:s24], [sflag:$0x4], $0x80, s31, s22, $0xb8;
	[tilespmem:$0x1F000] =	vst v63  }
0x55: {  	_ =	swait.ge [sflag:s20], $0x5000  }
0x56: {  	[sflag:s20] =	ssyncset.done $0x0  }
0x57: {  	[sflag:s20] =	ssyncadd.s32 $0xFFFFB000  }
0x58: {  	_ =	swait.ge [sflag:s23], $0x5000  }
0x59: {  	[sflag:s23] =	ssyncset.done $0x0  }
0x5a: {  	s4 =	sadd.s32 $0x1E0, s29;
	[sflag:s23] =	ssyncadd.s32 $0xFFFFB000  }
0x5b: {  	[tilespmem:s24], [sflag:$0x2] =	stream.indirect.gather [hbm4b:s1+s22], $0x80, s4, s22, $0xb8;
	[tilespmem:$0x1F000] =	vst v63  }
0x5c: {  	s31 =	sadd.s32 $0xB40, s29  }
0x5d: {  	[spmem:s2] =	stream.indirect.scatter.add.f32 [tilespmem:s19], [sflag:$0x4], $0x80, s31, s22, $0xb8;
	[tilespmem:$0x1F000] =	vst v63  }
0x5e: {  	_ =	swait.ge [sflag:s20], $0x5000  }
0x5f: {  	[sflag:s20] =	ssyncset.done $0x0  }
0x60: {  	[sflag:s20] =	ssyncadd.s32 $0xFFFFB000  }
0x61: {  	_ =	swait.ge [sflag:s25], $0x5000  }
0x62: {  	[sflag:s25] =	ssyncset.done $0x0  }
0x63: {  	s4 =	sor.u32 $0x280, s29;
	[sflag:s25] =	ssyncadd.s32 $0xFFFFB000  }
0x64: {  	[tilespmem:s19], [sflag:$0x1] =	stream.indirect.gather [hbm4b:s1+s22], $0x80, s4, s22, $0xb8;
	[tilespmem:$0x1F000] =	vst v63  }
0x65: {  	s31 =	sadd.s32 $0xBE0, s29  }
0x66: {  	[spmem:s2] =	stream.indirect.scatter.add.f32 [tilespmem:s24], [sflag:$0x4], $0x80, s31, s22, $0xb8;
	[tilespmem:$0x1F000] =	vst v63  }
0x67: {  	_ =	swait.ge [sflag:s20], $0x5000  }
0x68: {  	[sflag:s20] =	ssyncset.done $0x0  }
0x69: {  	[sflag:s20] =	ssyncadd.s32 $0xFFFFB000  }
0x6a: {  	_ =	swait.ge [sflag:s23], $0x5000  }
0x6b: {  	[sflag:s23] =	ssyncset.done $0x0  }
0x6c: {  	s4 =	sadd.s32 $0x320, s29;
	[sflag:s23] =	ssyncadd.s32 $0xFFFFB000  }
0x6d: {  	[tilespmem:s24], [sflag:$0x2] =	stream.indirect.gather [hbm4b:s1+s22], $0x80, s4, s22, $0xb8;
	[tilespmem:$0x1F000] =	vst v63  }
0x6e: {  	s31 =	sadd.s32 $0xC80, s29  }
0x6f: {  	[spmem:s2] =	stream.indirect.scatter.add.f32 [tilespmem:s19], [sflag:$0x4], $0x80, s31, s22, $0xb8;
	[tilespmem:$0x1F000] =	vst v63  }
0x70: {  	_ =	swait.ge [sflag:s20], $0x5000  }
0x71: {  	[sflag:s20] =	ssyncset.done $0x0  }
0x72: {  	[sflag:s20] =	ssyncadd.s32 $0xFFFFB000  }
0x73: {  	_ =	swait.ge [sflag:s25], $0x5000  }
0x74: {  	[sflag:s25] =	ssyncset.done $0x0  }
0x75: {  	s4 =	sadd.s32 $0x3C0, s29;
	[sflag:s25] =	ssyncadd.s32 $0xFFFFB000  }
0x76: {  	[tilespmem:s19], [sflag:$0x1] =	stream.indirect.gather [hbm4b:s1+s22], $0x80, s4, s22, $0xb8;
	[tilespmem:$0x1F000] =	vst v63  }
0x77: {  	s31 =	sadd.s32 $0xD20, s29  }
0x78: {  	[spmem:s2] =	stream.indirect.scatter.add.f32 [tilespmem:s24], [sflag:$0x4], $0x80, s31, s22, $0xb8;
	[tilespmem:$0x1F000] =	vst v63  }
0x79: {  	_ =	swait.ge [sflag:s20], $0x5000  }
0x7a: {  	[sflag:s20] =	ssyncset.done $0x0  }
0x7b: {  	[sflag:s20] =	ssyncadd.s32 $0xFFFFB000  }
0x7c: {  	_ =	swait.ge [sflag:s23], $0x5000  }
0x7d: {  	[sflag:s23] =	ssyncset.done $0x0  }
0x7e: {  	s4 =	sadd.s32 $0x460, s29;
	[sflag:s23] =	ssyncadd.s32 $0xFFFFB000  }
0x7f: {  	[tilespmem:s24], [sflag:$0x2] =	stream.indirect.gather [hbm4b:s1+s22], $0x80, s4, s22, $0xb8;
	[tilespmem:$0x1F000] =	vst v63  }
0x80: {  	s31 =	sadd.s32 $0xDC0, s29  }
0x81: {  	[spmem:s2] =	stream.indirect.scatter.add.f32 [tilespmem:s19], [sflag:$0x4], $0x80, s31, s22, $0xb8;
	[tilespmem:$0x1F000] =	vst v63  }
0x82: {  	_ =	swait.ge [sflag:s20], $0x5000  }
0x83: {  	[sflag:s20] =	ssyncset.done $0x0  }
0x84: {  	[sflag:s20] =	ssyncadd.s32 $0xFFFFB000  }
0x85: {  	_ =	swait.ge [sflag:s25], $0x5000  }
0x86: {  	[sflag:s25] =	ssyncset.done $0x0  }
0x87: {  	[sflag:s25] =	ssyncadd.s32 $0xFFFFB000  }
0x88: {  	_ =	swait.ge [sflag:s21], $0x500  }
0x89: {  	[sflag:s21] =	ssyncset.done $0x0  }
0x8a: {  	[sflag:s21] =	ssyncadd.s32 $0xFFFFFB00  }
0x8b: {  	_ =	swait.ge [sflag:s21], $0x500  }
0x8c: {  	[sflag:s21] =	ssyncset.done $0x0  }
0x8d: {  	s29 =	sadd.s32 $0xE60, s29;
	[sflag:s21] =	ssyncadd.s32 $0xFFFFFB00  }
0x8e: {  	[tilespmem:s19], [sflag:$0x1] =	stream.indirect.gather [hbm4b:s1+s22], $0x80, s30, s22, $0xb8;
	[tilespmem:$0x1F000] =	vst v63  }
.LBB2_4:
0x8f: {  	p0 =	sne.s32 s28, $0x7;
	s0 =	smov.u32 s28;
	s28 =	sadd.s32 $0x1, s28  }
0x90: {  	[spmem:s2] =	stream.indirect.scatter.add.f32 [tilespmem:s24], [sflag:$0x4], $0x80, s29, s22, $0xb8;
	[tilespmem:$0x1F000] =	vst v63  }
0x91: {  	s29 =	sand.u32 $0x7, s28  }
0x92: {  	s29 =	smul.u32 $0x2800, s29  }
0x93: {  	_ =	swait.ge [sflag:s20], $0x5000;
	s0 =	sand.u32 $0x1, s0  }
0x94: {  	s31 =	rddreg [dreg:$0x4];
	p1 =	seq.s32 s0, $0x1;
	s30 =	sadd.s32 s7, s29  }
0x95: {  	[sflag:s20] =	ssyncset.done $0x0;
	s31 =	simm.s32 @!p1 $0x0;
	s0 =	sshrl.u32 s30, $0x3  }
0x96: {  	[sflag:s20] =	ssyncadd.s32 $0xFFFFB000;
	s30 =	sxor.u32 $0x500, s31;
	s4 =	sadd.s32 s5, s0  }
0x97: {  	[tilespmem:s30], [sflag:$0x3] =	stream.strided.gather [hbm4b:s4+s16], $0x500, s17, s16, $0x38;
	[tilespmem:$0x1F000] =	vst v63  }
0x98: {  	s0 =	sadd.s32 s6, s0;
	s4 =	sxor.u32 $0xF00, s31  }
0x99: {  	[tilespmem:s4], [sflag:$0x3] =	stream.strided.gather [hbm4b:s0+s16], $0x500, s17, s16, $0x38;
	[tilespmem:$0x1F000] =	vst v63  }
0x9a: {  	_ =	swait.ge [sflag:s23], $0x5000  }
0x9b: {  	[sflag:s23] =	ssyncset.done $0x0  }
0x9c: {  	s4 =	sor.u32 $0xA0, s31;
	[sflag:s23] =	ssyncadd.s32 $0xFFFFB000  }
0x9d: {  	[tilespmem:s24], [sflag:$0x2] =	stream.indirect.gather [hbm4b:s1+s22], $0x80, s4, s22, $0xb8;
	[tilespmem:$0x1F000] =	vst v63  }
0x9e: {  	s4 =	sor.u32 $0xA00, s31  }
0x9f: {  	[spmem:s2] =	stream.indirect.scatter.add.f32 [tilespmem:s19], [sflag:$0x4], $0x80, s4, s22, $0xb8;
	[tilespmem:$0x1F000] =	vst v63  }
0xa0: {  	_ =	swait.ge [sflag:s20], $0x5000  }
0xa1: {  	[sflag:s20] =	ssyncset.done $0x0  }
0xa2: {  	[sflag:s20] =	ssyncadd.s32 $0xFFFFB000  }
0xa3: {  	_ =	swait.ge [sflag:s25], $0x5000  }
0xa4: {  	[sflag:s25] =	ssyncset.done $0x0  }
0xa5: {  	s4 =	sadd.s32 $0x140, s31;
	[sflag:s25] =	ssyncadd.s32 $0xFFFFB000  }
0xa6: {  	[tilespmem:s19], [sflag:$0x1] =	stream.indirect.gather [hbm4b:s1+s22], $0x80, s4, s22, $0xb8;
	[tilespmem:$0x1F000] =	vst v63  }
0xa7: {  	s4 =	sor.u32 $0xAA0, s31  }
0xa8: {  	[spmem:s2] =	stream.indirect.scatter.add.f32 [tilespmem:s24], [sflag:$0x4], $0x80, s4, s22, $0xb8;
	[tilespmem:$0x1F000] =	vst v63  }
0xa9: {  	_ =	swait.ge [sflag:s20], $0x5000  }
0xaa: {  	[sflag:s20] =	ssyncset.done $0x0  }
0xab: {  	[sflag:s20] =	ssyncadd.s32 $0xFFFFB000  }
0xac: {  	_ =	swait.ge [sflag:s23], $0x5000  }
0xad: {  	[sflag:s23] =	ssyncset.done $0x0  }
0xae: {  	s4 =	sadd.s32 $0x1E0, s31;
	[sflag:s23] =	ssyncadd.s32 $0xFFFFB000  }
0xaf: {  	[tilespmem:s24], [sflag:$0x2] =	stream.indirect.gather [hbm4b:s1+s22], $0x80, s4, s22, $0xb8;
	[tilespmem:$0x1F000] =	vst v63  }
0xb0: {  	s4 =	sadd.s32 $0xB40, s31  }
0xb1: {  	[spmem:s2] =	stream.indirect.scatter.add.f32 [tilespmem:s19], [sflag:$0x4], $0x80, s4, s22, $0xb8;
	[tilespmem:$0x1F000] =	vst v63  }
0xb2: {  	_ =	swait.ge [sflag:s20], $0x5000  }
0xb3: {  	[sflag:s20] =	ssyncset.done $0x0  }
0xb4: {  	[sflag:s20] =	ssyncadd.s32 $0xFFFFB000  }
0xb5: {  	_ =	swait.ge [sflag:s25], $0x5000  }
0xb6: {  	[sflag:s25] =	ssyncset.done $0x0  }
0xb7: {  	s4 =	sor.u32 $0x280, s31;
	[sflag:s25] =	ssyncadd.s32 $0xFFFFB000  }
0xb8: {  	[tilespmem:s19], [sflag:$0x1] =	stream.indirect.gather [hbm4b:s1+s22], $0x80, s4, s22, $0xb8;
	[tilespmem:$0x1F000] =	vst v63  }
0xb9: {  	s4 =	sadd.s32 $0xBE0, s31  }
0xba: {  	[spmem:s2] =	stream.indirect.scatter.add.f32 [tilespmem:s24], [sflag:$0x4], $0x80, s4, s22, $0xb8;
	[tilespmem:$0x1F000] =	vst v63  }
0xbb: {  	_ =	swait.ge [sflag:s20], $0x5000  }
0xbc: {  	[sflag:s20] =	ssyncset.done $0x0  }
0xbd: {  	[sflag:s20] =	ssyncadd.s32 $0xFFFFB000  }
0xbe: {  	_ =	swait.ge [sflag:s23], $0x5000  }
0xbf: {  	[sflag:s23] =	ssyncset.done $0x0  }
0xc0: {  	s4 =	sadd.s32 $0x320, s31;
	[sflag:s23] =	ssyncadd.s32 $0xFFFFB000  }
0xc1: {  	[tilespmem:s24], [sflag:$0x2] =	stream.indirect.gather [hbm4b:s1+s22], $0x80, s4, s22, $0xb8;
	[tilespmem:$0x1F000] =	vst v63  }
0xc2: {  	s4 =	sadd.s32 $0xC80, s31  }
0xc3: {  	[spmem:s2] =	stream.indirect.scatter.add.f32 [tilespmem:s19], [sflag:$0x4], $0x80, s4, s22, $0xb8;
	[tilespmem:$0x1F000] =	vst v63  }
0xc4: {  	_ =	swait.ge [sflag:s20], $0x5000  }
0xc5: {  	[sflag:s20] =	ssyncset.done $0x0  }
0xc6: {  	[sflag:s20] =	ssyncadd.s32 $0xFFFFB000  }
0xc7: {  	_ =	swait.ge [sflag:s25], $0x5000  }
0xc8: {  	[sflag:s25] =	ssyncset.done $0x0  }
0xc9: {  	s4 =	sadd.s32 $0x3C0, s31;
	[sflag:s25] =	ssyncadd.s32 $0xFFFFB000  }
0xca: {  	[tilespmem:s19], [sflag:$0x1] =	stream.indirect.gather [hbm4b:s1+s22], $0x80, s4, s22, $0xb8;
	[tilespmem:$0x1F000] =	vst v63  }
0xcb: {  	s4 =	sadd.s32 $0xD20, s31  }
0xcc: {  	[spmem:s2] =	stream.indirect.scatter.add.f32 [tilespmem:s24], [sflag:$0x4], $0x80, s4, s22, $0xb8;
	[tilespmem:$0x1F000] =	vst v63  }
0xcd: {  	_ =	swait.ge [sflag:s20], $0x5000  }
0xce: {  	[sflag:s20] =	ssyncset.done $0x0  }
0xcf: {  	[sflag:s20] =	ssyncadd.s32 $0xFFFFB000  }
0xd0: {  	_ =	swait.ge [sflag:s23], $0x5000  }
0xd1: {  	[sflag:s23] =	ssyncset.done $0x0  }
0xd2: {  	s4 =	sadd.s32 $0x460, s31;
	[sflag:s23] =	ssyncadd.s32 $0xFFFFB000  }
0xd3: {  	[tilespmem:s24], [sflag:$0x2] =	stream.indirect.gather [hbm4b:s1+s22], $0x80, s4, s22, $0xb8;
	[tilespmem:$0x1F000] =	vst v63  }
0xd4: {  	s29 =	sadd.s32 $0xE60, s31;
	s31 =	sadd.s32 $0xDC0, s31  }
0xd5: {  	[spmem:s2] =	stream.indirect.scatter.add.f32 [tilespmem:s19], [sflag:$0x4], $0x80, s31, s22, $0xb8;
	[tilespmem:$0x1F000] =	vst v63  }
0xd6: {  	_ =	swait.ge [sflag:s20], $0x5000  }
0xd7: {  	[sflag:s20] =	ssyncset.done $0x0  }
0xd8: {  	[sflag:s20] =	ssyncadd.s32 $0xFFFFB000  }
0xd9: {  	_ =	swait.ge [sflag:s25], $0x5000  }
0xda: {  	[sflag:s25] =	ssyncset.done $0x0  }
0xdb: {  	[sflag:s25] =	ssyncadd.s32 $0xFFFFB000  }
0xdc: {  	_ =	swait.ge [sflag:s21], $0x500  }
0xdd: {  	[sflag:s21] =	ssyncset.done $0x0  }
.Ltmp1:
0xde: {  	[sflag:s21] =	ssyncadd.s32 $0xFFFFFB00;
	(pc) =	sbr.rel @p0 .LBB2_4-.Ltmp1, $4  }
0xdf: {  	_ =	swait.ge [sflag:s21], $0x500  }
0xe0: {  	[sflag:s21] =	ssyncset.done $0x0  }
0xe1: {  	[sflag:s21] =	ssyncadd.s32 $0xFFFFFB00  }
0xe2: {  	[tilespmem:s19], [sflag:$0x1] =	stream.indirect.gather [hbm4b:s1+s22], $0x80, s30, s22, $0xb8;
	[tilespmem:$0x1F000] =	vst v63  }
0xe3: {  	[spmem:s2] =	stream.indirect.scatter.add.f32 [tilespmem:s24], [sflag:$0x4], $0x80, s29, s22, $0xb8;
	[tilespmem:$0x1F000] =	vst v63  }
0xe4: {  	_ =	swait.ge [sflag:s20], $0x5000  }
0xe5: {  	[sflag:s20] =	ssyncset.done $0x0  }
0xe6: {  	[sflag:s20] =	ssyncadd.s32 $0xFFFFB000  }
0xe7: {  	_ =	swait.ge [sflag:s23], $0x5000  }
0xe8: {  	s0 =	sshll.u32 s3, $0x6;
	s26 =	sadd.s32 $0x1, s26;
	[sflag:s23] =	ssyncset.done $0x0  }
0xe9: {  	s4 =	sshrl.u32 s10, $0x3;
	p0 =	sne.s32 s26, s13;
	[sflag:s23] =	ssyncadd.s32 $0xFFFFB000  }
.Ltmp2:
0xea: {  	s0 =	sor.u32 $0x1C04, s0;
	[bflag:$0x0] =	sbarrier.arrive $0xFFFF;
	(pc) =	sbr.rel @p0 .LBB2_1-.Ltmp2, $4  }
0xeb: {  	[hbm:s12], [sflag:s0] =	dma.local [spmem:s4], $0x2780  }
0xec: {  	_ =	swait.ge [sflag:s20], $0x2780  }
0xed: {  	[sflag:s20] =	ssyncset.done $0x0  }
0xee: {  	[sflag:s20] =	ssyncadd.s32 $0xFFFFD880  }
0xef: {  	_ =	sfence.sel $0x180000  }
0xf0: {  	[bflag:$0x0] =	sbarrier.arrive $0xFFFF  }
0xf1: {  	_ =	strace $0x90000047  }
0xf2: {  	[bflag:$0x2] =	sbarrier.arrive $0xFFFF  }
0xf3: {  	p0 =	sne.s32 s3, $0x0;
	s0 =	rddreg [dreg:$0x3]  }
0xf4: {  	s0 =	sadd.s32 @!p0 $0x100000, s0  }
0xf5: {  	[sflag:s0] =	ssyncadd.tile.s32 @!p0 $0x1;
	_ =	shalt  }
.Lfunc_end2:
_tile_overlayer_lowered:
.L_overlay_start_2:
0xf6: {  	(tag) =	ssettag $0x2  }
0xf7: {  	s0 =	rddreg [dreg:$0x0];
	s2 =	stileid.u32  }
0xf8: {  	s1 =	rddreg [dreg:$0x1];
	p0 =	sne.s32 s2, $0x0  }
0xf9: {  	s3 =	rddreg [dreg:$0x2];
	[bflag:$0x3] =	sbarrier.arrive $0xFFFF;
	s2 =	simm.s32 @!p0 $0x1C04  }
0xfa: {  	[timem:s3], [sflag:s2] =	dma.local @!p0 [hbm:s0], s1  }
0xfb: {  	s0 =	simm.s32 @!p0 $0x4  }
0xfc: {  	_ =	swait.ge @!p0 [sflag:s0], s1  }
0xfd: {  	s1 =	ssub.s32 @!p0 $0x0, s1;
	[sflag:s0] =	ssyncset.done @!p0 $0x0  }
0xfe: {  	[sflag:s0] =	ssyncadd.s32 @!p0 s1  }
0xff: {  	[bflag:$0x3] =	sbarrier.arrive $0xFFFF  }
0x100: {  	_ =	shalt  }

</sc_bundles>
